<compile_context>
chip_gen: v7x
topology: tpu7x:2x2x1
jax: 0.10.2.dev20260603
libtpu: 0.0.44.dev20260713+nightly
codegen_flags: <defaults>
</compile_context>

<pallas_src>
import functools

import jax
import jax.numpy as jnp
from jax import lax
from jax.experimental import pallas as pl
from jax.experimental.pallas import tpu as pltpu
from jax.experimental.pallas import tpu_sc as plsc

_NC = 2
_NS = 16
_NW = _NC * _NS
_L = 16
_BBLK = 128
_TCHUNK = 40


def kernel(x, anchors):
    b, t = x.shape
    num_anchors = anchors.shape[0]
    xt = x.T.astype(jnp.int32)
    tab_flat = anchors.reshape(num_anchors * 4)

    kblk = b // (2 * _BBLK)
    n_chunks = t // _TCHUNK
    groups = _BBLK // _L

    mesh = plsc.VectorSubcoreMesh(core_axis_name="c", subcore_axis_name="s")

    @functools.partial(
        pl.kernel,
        out_type=jax.ShapeDtypeStruct((t, kblk, 8, 128), jnp.float32),
        mesh=mesh,
        compiler_params=pltpu.CompilerParams(needs_layout_passes=False),
        scratch_types=[
            pltpu.VMEM((num_anchors * 4,), jnp.float32),
            pltpu.VMEM((2, _TCHUNK, _BBLK), jnp.int32),
            pltpu.VMEM((2, _TCHUNK, 4, 128), jnp.float32),
            pltpu.SemaphoreType.DMA,
            pltpu.SemaphoreType.DMA,
            pltpu.SemaphoreType.DMA,
            pltpu.SemaphoreType.DMA,
        ],
    )
    def _gather(xt_hbm, tab_hbm, out_hbm, tab_v, idx_v, out_v, is0, is1, os0, os1):
        wid = lax.axis_index("s") * _NC + lax.axis_index("c")
        kk = wid // 2
        r0 = (wid % 2) * 4
        isems = (is0, is1)
        osems = (os0, os1)

        def start_in(ch):
            return pltpu.async_copy(
                xt_hbm.at[
                    pl.ds(ch * _TCHUNK, _TCHUNK), pl.ds(wid * _BBLK, _BBLK)
                ],
                idx_v.at[ch % 2],
                isems[ch % 2],
            )

        in_cp = [None] * n_chunks
        out_cp = [None] * n_chunks
        in_cp[0] = start_in(0)
        pltpu.sync_copy(tab_hbm, tab_v)
        for ch in range(n_chunks):
            s = ch % 2
            if ch + 1 < n_chunks:
                in_cp[ch + 1] = start_in(ch + 1)
            in_cp[ch].wait()
            if ch >= 2:
                out_cp[ch - 2].wait()

            @plsc.parallel_loop(0, _TCHUNK * groups, unroll=2)
            def _(i):
                tr = i // groups
                g = i % groups
                iv4 = idx_v[s, tr, pl.ds(g * _L, _L)] * 4
                for c in range(4):
                    out_v[s, tr, c, pl.ds(g * _L, _L)] = plsc.load_gather(
                        tab_v, [iv4 + c]
                    )

            out_cp[ch] = pltpu.async_copy(
                out_v.at[s],
                out_hbm.at[pl.ds(ch * _TCHUNK, _TCHUNK), kk, pl.ds(r0, 4)],
                osems[s],
            )
        out_cp[n_chunks - 2].wait()
        out_cp[n_chunks - 1].wait()

    out4d = _gather(xt, tab_flat)
    out = (
        out4d.reshape(t, kblk, 2, 4, 128)
        .transpose(1, 2, 4, 0, 3)
        .reshape(b, t, 4)
    )
    return out

# --- scband reference (transcript-rebuilt; emitter-appended) ---
"""Pipeline reference for scband-collect-regions-58007828300124 (READ-ONLY COPY).

The authoritative reference and input builder live on the scoring server;
editing this copy changes nothing except your own understanding.
"""

import jax, jax.numpy as jnp
import numpy as np

NUM_ANCHORS = 1614  # size of generate_default_anchor_maps() output in NTS-Net
BATCH = 4096
TOPN = 200

def setup_inputs(seed: int = 0) -> dict:
    key = jax.random.key(seed)
    k1, k2 = jax.random.split(key)
    x = jax.random.randint(k1, (BATCH, TOPN), 0, NUM_ANCHORS)
    # anchors: the constant anchor map built in __init__ (treated as a float table)
    anchors = jax.random.normal(k2, (NUM_ANCHORS, 4), dtype=jnp.float32)
    return {"x": x, "anchors": anchors}

def reference(x, anchors):
    # tf.map_fn(lambda xx: K.gather(anchors, cast(xx, int32)), x)
    # == batched row-gather from the anchor table -> [B, topN, 4]
    idx = x.astype(jnp.int32)
    topN_regions = jnp.take(anchors, idx, axis=0)
    return topN_regions

if __name__ == "__main__":
    import jax
    _d = setup_inputs()
    print(jax.jit(kernel)(*tuple(_d.values())))

</pallas_src>

<mosaic_0001>
#map = affine_map<(d0, d1) -> (0, 0)>
#map1 = affine_map<(d0, d1) -> (0)>
#map2 = affine_map<(d0, d1) -> (0, 0, 0, 0)>
module attributes {stable_mosaic.version = 14 : i64} {
  func.func @_gather(%arg0: i32, %arg1: i32, %arg2: memref<200x4096xi32, #tpu.memory_space<hbm>>, %arg3: memref<6456xf32, #tpu.memory_space<hbm>>, %arg4: memref<200x16x8x128xf32, #tpu.memory_space<hbm>>, %arg5: memref<6456xf32, #tpu.memory_space<vmem>>, %arg6: memref<2x40x128xi32, #tpu.memory_space<vmem>>, %arg7: memref<2x40x4x128xf32, #tpu.memory_space<vmem>>, %arg8: memref<!tpu.dma_semaphore, #tpu.memory_space<semaphore_mem>>, %arg9: memref<!tpu.dma_semaphore, #tpu.memory_space<semaphore_mem>>, %arg10: memref<!tpu.dma_semaphore, #tpu.memory_space<semaphore_mem>>, %arg11: memref<!tpu.dma_semaphore, #tpu.memory_space<semaphore_mem>>) attributes {dimension_semantics = [#tpu.dimension_semantics<core_parallel>, #tpu.dimension_semantics<subcore_parallel>], iteration_bounds = array<i64: 2, 16>, scalar_prefetch = 0 : i64, scratch_operands = 7 : i64, tpu.core_type = #tpu.core_type<sc_vector_subcore>, window_params = [{transform_indices = #map}, {transform_indices = #map1}, {transform_indices = #map2}]} {
    %mul3A = arith.constant 2 : i32
    %mul3A_0 = arith.muli %arg1, %mul3A : i32
    %add3A = arith.addi %mul3A_0, %arg0 : i32
    %jit3A = arith.constant 2 : i32
    %div3A = arith.divsi %add3A, %jit3A : i32
    %sign3A = arith.constant 0 : i32
    %sign3A_1 = arith.cmpi sgt, %add3A, %sign3A : i32
    %sign3A_2 = arith.extui %sign3A_1 : i1 to i32
    %sign3A_3 = arith.constant 0 : i32
    %sign3A_4 = arith.cmpi slt, %add3A, %sign3A_3 : i32
    %sign3A_5 = arith.extui %sign3A_4 : i1 to i32
    %sign3A_6 = arith.subi %sign3A_2, %sign3A_5 : i32
    %sign3A_7 = arith.constant 0 : i32
    %sign3A_8 = arith.cmpi sgt, %jit3A, %sign3A_7 : i32
    %sign3A_9 = arith.extui %sign3A_8 : i1 to i32
    %sign3A_10 = arith.constant 0 : i32
    %sign3A_11 = arith.cmpi slt, %jit3A, %sign3A_10 : i32
    %sign3A_12 = arith.extui %sign3A_11 : i1 to i32
    %sign3A_13 = arith.subi %sign3A_9, %sign3A_12 : i32
    %ne3A = arith.cmpi ne, %sign3A_6, %sign3A_13 : i32
    %rem3A = arith.remsi %add3A, %jit3A : i32
    %ne3A_14 = arith.constant 0 : i32
    %ne3A_15 = arith.cmpi ne, %rem3A, %ne3A_14 : i32
    %and3A = arith.andi %ne3A, %ne3A_15 : i1
    %sub3A = arith.constant 1 : i32
    %sub3A_16 = arith.subi %div3A, %sub3A : i32
    %select_n3A = arith.select %and3A, %sub3A_16, %div3A : i32
    %jit3A_17 = arith.constant 2 : i32
    %eq3A = arith.constant 0 : i32
    %eq3A_18 = arith.cmpi eq, %jit3A_17, %eq3A : i32
    %jit3A_19 = arith.constant 1 : i32
    %select_n3A_20 = arith.select %eq3A_18, %jit3A_19, %jit3A_17 : i32
    %rem3A_21 = arith.remsi %add3A, %select_n3A_20 : i32
    %ne3A_22 = arith.constant 0 : i32
    %ne3A_23 = arith.cmpi ne, %rem3A_21, %ne3A_22 : i32
    %lt3A = arith.constant 0 : i32
    %lt3A_24 = arith.cmpi slt, %rem3A_21, %lt3A : i32
    %lt3A_25 = arith.constant 0 : i32
    %lt3A_26 = arith.cmpi slt, %select_n3A_20, %lt3A_25 : i32
    %ne3A_27 = arith.xori %lt3A_24, %lt3A_26 : i1
    %and3A_28 = arith.andi %ne3A_27, %ne3A_23 : i1
    %add3A_29 = arith.addi %rem3A_21, %select_n3A_20 : i32
    %select_n3A_30 = arith.select %and3A_28, %add3A_29, %rem3A_21 : i32
    %mul3A_31 = arith.constant 4 : i32
    %mul3A_32 = arith.muli %select_n3A_30, %mul3A_31 : i32
    %mul3A_33 = arith.constant 128 : i32
    %mul3A_34 = arith.muli %add3A, %mul3A_33 : i32
    %dma_start3A = arith.constant 0 : i32
    %dma_start3A_35 = arith.constant 0 : i32
    %dma_start3A_36 = arith.constant 0 : i32
    %dma_start3A_37 = tpu.memref_slice %arg6[%dma_start3A, %dma_start3A_35, %dma_start3A_36] : memref<2x40x128xi32, #tpu.memory_space<vmem>> -> memref<1x40x128xi32, #tpu.memory_space<vmem>>
    %dma_start3A_38 = tpu.memref_squeeze %dma_start3A_37 : memref<1x40x128xi32, #tpu.memory_space<vmem>> -> memref<40x128xi32, #tpu.memory_space<vmem>>
    %dma_start3A_39 = arith.constant 0 : i32
    %dma_start3A_40 = tpu.memref_slice %arg2[%dma_start3A_39, %mul3A_34] : memref<200x4096xi32, #tpu.memory_space<hbm>> -> memref<40x128xi32, #tpu.memory_space<hbm>>
    %dma_start3A_41 = arith.constant 0 : i32
    %dma_start3A_42 = arith.constant 0 : i32
    %dma_start3A_43 = tpu.memref_slice %arg6[%dma_start3A, %dma_start3A_41, %dma_start3A_42] : memref<2x40x128xi32, #tpu.memory_space<vmem>> -> memref<1x40x128xi32, #tpu.memory_space<vmem>>
    %dma_start3A_44 = tpu.memref_squeeze %dma_start3A_43 : memref<1x40x128xi32, #tpu.memory_space<vmem>> -> memref<40x128xi32, #tpu.memory_space<vmem>>
    %dma_start3A_45 = arith.constant 0 : i32
    %dma_start3A_46 = tpu.memref_slice %arg2[%dma_start3A_45, %mul3A_34] : memref<200x4096xi32, #tpu.memory_space<hbm>> -> memref<40x128xi32, #tpu.memory_space<hbm>>
    tpu.enqueue_dma source(%dma_start3A_46 : memref<40x128xi32, #tpu.memory_space<hbm>>) target(%dma_start3A_44 : memref<40x128xi32, #tpu.memory_space<vmem>>) target_semaphore(%arg8 : memref<!tpu.dma_semaphore, #tpu.memory_space<semaphore_mem>>)
    "tpu.region"() ({
      %run_scoped3A = tpu.sem_alloc : memref<!tpu.dma_semaphore, #tpu.memory_space<semaphore_mem>>
      tpu.enqueue_dma source(%arg3 : memref<6456xf32, #tpu.memory_space<hbm>>) target(%arg5 : memref<6456xf32, #tpu.memory_space<vmem>>) target_semaphore(%run_scoped3A : memref<!tpu.dma_semaphore, #tpu.memory_space<semaphore_mem>>)
      tpu.wait_dma2 semaphore(%run_scoped3A : memref<!tpu.dma_semaphore, #tpu.memory_space<semaphore_mem>>) src(%arg3 : memref<6456xf32, #tpu.memory_space<hbm>>) dst(%arg5 : memref<6456xf32, #tpu.memory_space<vmem>>)
      tpu.yield
    }) : () -> ()
    %mul3A_47 = arith.constant 128 : i32
    %mul3A_48 = arith.muli %add3A, %mul3A_47 : i32
    %dma_start3A_49 = arith.constant 1 : i32
    %dma_start3A_50 = arith.constant 0 : i32
    %dma_start3A_51 = arith.constant 0 : i32
    %dma_start3A_52 = tpu.memref_slice %arg6[%dma_start3A_49, %dma_start3A_50, %dma_start3A_51] : memref<2x40x128xi32, #tpu.memory_space<vmem>> -> memref<1x40x128xi32, #tpu.memory_space<vmem>>
    %dma_start3A_53 = tpu.memref_squeeze %dma_start3A_52 : memref<1x40x128xi32, #tpu.memory_space<vmem>> -> memref<40x128xi32, #tpu.memory_space<vmem>>
    %dma_start3A_54 = arith.constant 40 : i32
    %dma_start3A_55 = tpu.memref_slice %arg2[%dma_start3A_54, %mul3A_48] : memref<200x4096xi32, #tpu.memory_space<hbm>> -> memref<40x128xi32, #tpu.memory_space<hbm>>
    %dma_start3A_56 = arith.constant 0 : i32
    %dma_start3A_57 = arith.constant 0 : i32
    %dma_start3A_58 = tpu.memref_slice %arg6[%dma_start3A_49, %dma_start3A_56, %dma_start3A_57] : memref<2x40x128xi32, #tpu.memory_space<vmem>> -> memref<1x40x128xi32, #tpu.memory_space<vmem>>
    %dma_start3A_59 = tpu.memref_squeeze %dma_start3A_58 : memref<1x40x128xi32, #tpu.memory_space<vmem>> -> memref<40x128xi32, #tpu.memory_space<vmem>>
    %dma_start3A_60 = arith.constant 40 : i32
    %dma_start3A_61 = tpu.memref_slice %arg2[%dma_start3A_60, %mul3A_48] : memref<200x4096xi32, #tpu.memory_space<hbm>> -> memref<40x128xi32, #tpu.memory_space<hbm>>
    tpu.enqueue_dma source(%dma_start3A_61 : memref<40x128xi32, #tpu.memory_space<hbm>>) target(%dma_start3A_59 : memref<40x128xi32, #tpu.memory_space<vmem>>) target_semaphore(%arg9 : memref<!tpu.dma_semaphore, #tpu.memory_space<semaphore_mem>>)
    %dma_wait3A = arith.constant 0 : i32
    %dma_wait3A_62 = arith.constant 0 : i32
    %dma_wait3A_63 = arith.constant 0 : i32
    %dma_wait3A_64 = tpu.memref_slice %arg6[%dma_wait3A, %dma_wait3A_62, %dma_wait3A_63] : memref<2x40x128xi32, #tpu.memory_space<vmem>> -> memref<1x40x128xi32, #tpu.memory_space<vmem>>
    %dma_wait3A_65 = tpu.memref_squeeze %dma_wait3A_64 : memref<1x40x128xi32, #tpu.memory_space<vmem>> -> memref<40x128xi32, #tpu.memory_space<vmem>>
    %dma_wait3A_66 = arith.constant 0 : i32
    %dma_wait3A_67 = tpu.memref_slice %arg2[%dma_wait3A_66, %mul3A_34] : memref<200x4096xi32, #tpu.memory_space<hbm>> -> memref<40x128xi32, #tpu.memory_space<hbm>>
    %dma_wait3A_68 = arith.constant 0 : i32
    %dma_wait3A_69 = arith.constant 0 : i32
    %dma_wait3A_70 = tpu.memref_slice %arg6[%dma_wait3A, %dma_wait3A_68, %dma_wait3A_69] : memref<2x40x128xi32, #tpu.memory_space<vmem>> -> memref<1x40x128xi32, #tpu.memory_space<vmem>>
    %dma_wait3A_71 = tpu.memref_squeeze %dma_wait3A_70 : memref<1x40x128xi32, #tpu.memory_space<vmem>> -> memref<40x128xi32, #tpu.memory_space<vmem>>
    %dma_wait3A_72 = arith.constant 0 : i32
    %dma_wait3A_73 = tpu.memref_slice %arg2[%dma_wait3A_72, %mul3A_34] : memref<200x4096xi32, #tpu.memory_space<hbm>> -> memref<40x128xi32, #tpu.memory_space<hbm>>
    tpu.wait_dma2 semaphore(%arg8 : memref<!tpu.dma_semaphore, #tpu.memory_space<semaphore_mem>>) src(%dma_wait3A_73 : memref<40x128xi32, #tpu.memory_space<hbm>>) dst(%dma_wait3A_71 : memref<40x128xi32, #tpu.memory_space<vmem>>)
    %parallel_loop3A = arith.constant 0 : i32
    %parallel_loop3A_74 = arith.constant 320 : i32
    %parallel_loop3A_75 = arith.constant 1 : i32
    scf.for %parallel_loop3A_375 = %parallel_loop3A to %parallel_loop3A_74 step %parallel_loop3A_75  : i32 {
      %parallel_loop3A_376 = arith.constant 8 : i32
      %parallel_loop3A_377 = arith.divsi %parallel_loop3A_375, %parallel_loop3A_376 : i32
      %parallel_loop3A_378 = arith.constant 0 : i32
      %parallel_loop3A_379 = arith.cmpi sgt, %parallel_loop3A_375, %parallel_loop3A_378 : i32
      %parallel_loop3A_380 = arith.extui %parallel_loop3A_379 : i1 to i32
      %parallel_loop3A_381 = arith.constant 0 : i32
      %parallel_loop3A_382 = arith.cmpi slt, %parallel_loop3A_375, %parallel_loop3A_381 : i32
      %parallel_loop3A_383 = arith.extui %parallel_loop3A_382 : i1 to i32
      %parallel_loop3A_384 = arith.subi %parallel_loop3A_380, %parallel_loop3A_383 : i32
      %parallel_loop3A_385 = arith.constant 0 : i32
      %parallel_loop3A_386 = arith.cmpi sgt, %parallel_loop3A_376, %parallel_loop3A_385 : i32
      %parallel_loop3A_387 = arith.extui %parallel_loop3A_386 : i1 to i32
      %parallel_loop3A_388 = arith.constant 0 : i32
      %parallel_loop3A_389 = arith.cmpi slt, %parallel_loop3A_376, %parallel_loop3A_388 : i32
      %parallel_loop3A_390 = arith.extui %parallel_loop3A_389 : i1 to i32
      %parallel_loop3A_391 = arith.subi %parallel_loop3A_387, %parallel_loop3A_390 : i32
      %parallel_loop3A_392 = arith.cmpi ne, %parallel_loop3A_384, %parallel_loop3A_391 : i32
      %parallel_loop3A_393 = arith.remsi %parallel_loop3A_375, %parallel_loop3A_376 : i32
      %parallel_loop3A_394 = arith.constant 0 : i32
      %parallel_loop3A_395 = arith.cmpi ne, %parallel_loop3A_393, %parallel_loop3A_394 : i32
      %parallel_loop3A_396 = arith.andi %parallel_loop3A_392, %parallel_loop3A_395 : i1
      %parallel_loop3A_397 = arith.constant 1 : i32
      %parallel_loop3A_398 = arith.subi %parallel_loop3A_377, %parallel_loop3A_397 : i32
      %parallel_loop3A_399 = arith.select %parallel_loop3A_396, %parallel_loop3A_398, %parallel_loop3A_377 : i32
      %parallel_loop3A_400 = arith.constant 8 : i32
      %parallel_loop3A_401 = arith.constant 0 : i32
      %parallel_loop3A_402 = arith.cmpi eq, %parallel_loop3A_400, %parallel_loop3A_401 : i32
      %parallel_loop3A_403 = arith.constant 1 : i32
      %parallel_loop3A_404 = arith.select %parallel_loop3A_402, %parallel_loop3A_403, %parallel_loop3A_400 : i32
      %parallel_loop3A_405 = arith.remsi %parallel_loop3A_375, %parallel_loop3A_404 : i32
      %parallel_loop3A_406 = arith.constant 0 : i32
      %parallel_loop3A_407 = arith.cmpi ne, %parallel_loop3A_405, %parallel_loop3A_406 : i32
      %parallel_loop3A_408 = arith.constant 0 : i32
      %parallel_loop3A_409 = arith.cmpi slt, %parallel_loop3A_405, %parallel_loop3A_408 : i32
      %parallel_loop3A_410 = arith.constant 0 : i32
      %parallel_loop3A_411 = arith.cmpi slt, %parallel_loop3A_404, %parallel_loop3A_410 : i32
      %parallel_loop3A_412 = arith.xori %parallel_loop3A_409, %parallel_loop3A_411 : i1
      %parallel_loop3A_413 = arith.andi %parallel_loop3A_412, %parallel_loop3A_407 : i1
      %parallel_loop3A_414 = arith.addi %parallel_loop3A_405, %parallel_loop3A_404 : i32
      %parallel_loop3A_415 = arith.select %parallel_loop3A_413, %parallel_loop3A_414, %parallel_loop3A_405 : i32
      %parallel_loop3A_416 = arith.constant 16 : i32
      %parallel_loop3A_417 = arith.muli %parallel_loop3A_415, %parallel_loop3A_416 : i32
      %parallel_loop3A_418 = arith.constant 0 : i32
      %parallel_loop3A_419 = arith.index_cast %parallel_loop3A_418 : i32 to index
      %parallel_loop3A_420 = arith.index_cast %parallel_loop3A_399 : i32 to index
      %parallel_loop3A_421 = arith.index_cast %parallel_loop3A_417 : i32 to index
      %parallel_loop3A_422 = tpu.vector_load %arg6[%parallel_loop3A_419, %parallel_loop3A_420, %parallel_loop3A_421] {strides = array<i32>} : memref<2x40x128xi32, #tpu.memory_space<vmem>>, vector<16xi32>,
      %parallel_loop3A_423 = arith.constant 4 : i32
      %parallel_loop3A_424 = vector.broadcast %parallel_loop3A_423 : i32 to vector<16xi32>
      %parallel_loop3A_425 = arith.muli %parallel_loop3A_422, %parallel_loop3A_424 : vector<16xi32>
      %parallel_loop3A_426 = arith.constant 0 : i32
      %parallel_loop3A_427 = vector.broadcast %parallel_loop3A_426 : i32 to vector<16xi32>
      %parallel_loop3A_428 = arith.addi %parallel_loop3A_425, %parallel_loop3A_427 : vector<16xi32>
      %parallel_loop3A_429 = tpu.vector_load_idx %arg5[%parallel_loop3A_428] : memref<6456xf32, #tpu.memory_space<vmem>>[vector<16xi32>], vector<16xf32>,
      %parallel_loop3A_430 = arith.constant 16 : i32
      %parallel_loop3A_431 = arith.muli %parallel_loop3A_415, %parallel_loop3A_430 : i32
      %parallel_loop3A_432 = arith.constant 0 : i32
      %parallel_loop3A_433 = arith.constant 0 : i32
      %parallel_loop3A_434 = arith.index_cast %parallel_loop3A_432 : i32 to index
      %parallel_loop3A_435 = arith.index_cast %parallel_loop3A_399 : i32 to index
      %parallel_loop3A_436 = arith.index_cast %parallel_loop3A_433 : i32 to index
      %parallel_loop3A_437 = arith.index_cast %parallel_loop3A_431 : i32 to index
      %parallel_loop3A_438 = tpu.vector_load %arg7[%parallel_loop3A_434, %parallel_loop3A_435, %parallel_loop3A_436, %parallel_loop3A_437] {strides = array<i32>} : memref<2x40x4x128xf32, #tpu.memory_space<vmem>>, vector<16xf32>,
      tpu.vector_store %arg7[%parallel_loop3A_434, %parallel_loop3A_435, %parallel_loop3A_436, %parallel_loop3A_437], %parallel_loop3A_429 {strides = array<i32>} : memref<2x40x4x128xf32, #tpu.memory_space<vmem>>, vector<16xf32>,
      %parallel_loop3A_439 = arith.constant 1 : i32
      %parallel_loop3A_440 = vector.broadcast %parallel_loop3A_439 : i32 to vector<16xi32>
      %parallel_loop3A_441 = arith.addi %parallel_loop3A_425, %parallel_loop3A_440 : vector<16xi32>
      %parallel_loop3A_442 = tpu.vector_load_idx %arg5[%parallel_loop3A_441] : memref<6456xf32, #tpu.memory_space<vmem>>[vector<16xi32>], vector<16xf32>,
      %parallel_loop3A_443 = arith.constant 16 : i32
      %parallel_loop3A_444 = arith.muli %parallel_loop3A_415, %parallel_loop3A_443 : i32
      %parallel_loop3A_445 = arith.constant 0 : i32
      %parallel_loop3A_446 = arith.constant 1 : i32
      %parallel_loop3A_447 = arith.index_cast %parallel_loop3A_445 : i32 to index
      %parallel_loop3A_448 = arith.index_cast %parallel_loop3A_399 : i32 to index
      %parallel_loop3A_449 = arith.index_cast %parallel_loop3A_446 : i32 to index
      %parallel_loop3A_450 = arith.index_cast %parallel_loop3A_444 : i32 to index
      %parallel_loop3A_451 = tpu.vector_load %arg7[%parallel_loop3A_447, %parallel_loop3A_448, %parallel_loop3A_449, %parallel_loop3A_450] {strides = array<i32>} : memref<2x40x4x128xf32, #tpu.memory_space<vmem>>, vector<16xf32>,
      tpu.vector_store %arg7[%parallel_loop3A_447, %parallel_loop3A_448, %parallel_loop3A_449, %parallel_loop3A_450], %parallel_loop3A_442 {strides = array<i32>} : memref<2x40x4x128xf32, #tpu.memory_space<vmem>>, vector<16xf32>,
      %parallel_loop3A_452 = arith.constant 2 : i32
      %parallel_loop3A_453 = vector.broadcast %parallel_loop3A_452 : i32 to vector<16xi32>
      %parallel_loop3A_454 = arith.addi %parallel_loop3A_425, %parallel_loop3A_453 : vector<16xi32>
      %parallel_loop3A_455 = tpu.vector_load_idx %arg5[%parallel_loop3A_454] : memref<6456xf32, #tpu.memory_space<vmem>>[vector<16xi32>], vector<16xf32>,
      %parallel_loop3A_456 = arith.constant 16 : i32
      %parallel_loop3A_457 = arith.muli %parallel_loop3A_415, %parallel_loop3A_456 : i32
      %parallel_loop3A_458 = arith.constant 0 : i32
      %parallel_loop3A_459 = arith.constant 2 : i32
      %parallel_loop3A_460 = arith.index_cast %parallel_loop3A_458 : i32 to index
      %parallel_loop3A_461 = arith.index_cast %parallel_loop3A_399 : i32 to index
      %parallel_loop3A_462 = arith.index_cast %parallel_loop3A_459 : i32 to index
      %parallel_loop3A_463 = arith.index_cast %parallel_loop3A_457 : i32 to index
      %parallel_loop3A_464 = tpu.vector_load %arg7[%parallel_loop3A_460, %parallel_loop3A_461, %parallel_loop3A_462, %parallel_loop3A_463] {strides = array<i32>} : memref<2x40x4x128xf32, #tpu.memory_space<vmem>>, vector<16xf32>,
      tpu.vector_store %arg7[%parallel_loop3A_460, %parallel_loop3A_461, %parallel_loop3A_462, %parallel_loop3A_463], %parallel_loop3A_455 {strides = array<i32>} : memref<2x40x4x128xf32, #tpu.memory_space<vmem>>, vector<16xf32>,
      %parallel_loop3A_465 = arith.constant 3 : i32
      %parallel_loop3A_466 = vector.broadcast %parallel_loop3A_465 : i32 to vector<16xi32>
      %parallel_loop3A_467 = arith.addi %parallel_loop3A_425, %parallel_loop3A_466 : vector<16xi32>
      %parallel_loop3A_468 = tpu.vector_load_idx %arg5[%parallel_loop3A_467] : memref<6456xf32, #tpu.memory_space<vmem>>[vector<16xi32>], vector<16xf32>,
      %parallel_loop3A_469 = arith.constant 16 : i32
      %parallel_loop3A_470 = arith.muli %parallel_loop3A_415, %parallel_loop3A_469 : i32
      %parallel_loop3A_471 = arith.constant 0 : i32
      %parallel_loop3A_472 = arith.constant 3 : i32
      %parallel_loop3A_473 = arith.index_cast %parallel_loop3A_471 : i32 to index
      %parallel_loop3A_474 = arith.index_cast %parallel_loop3A_399 : i32 to index
      %parallel_loop3A_475 = arith.index_cast %parallel_loop3A_472 : i32 to index
      %parallel_loop3A_476 = arith.index_cast %parallel_loop3A_470 : i32 to index
      %parallel_loop3A_477 = tpu.vector_load %arg7[%parallel_loop3A_473, %parallel_loop3A_474, %parallel_loop3A_475, %parallel_loop3A_476] {strides = array<i32>} : memref<2x40x4x128xf32, #tpu.memory_space<vmem>>, vector<16xf32>,
      tpu.vector_store %arg7[%parallel_loop3A_473, %parallel_loop3A_474, %parallel_loop3A_475, %parallel_loop3A_476], %parallel_loop3A_468 {strides = array<i32>} : memref<2x40x4x128xf32, #tpu.memory_space<vmem>>, vector<16xf32>,
    } {sc.loop_unroll_factor = 2 : i64, sc.parallel_access}
    %dma_start3A_76 = arith.constant 0 : i32
    %dma_start3A_77 = arith.constant 0 : i32
    %dma_start3A_78 = arith.constant 0 : i32
    %dma_start3A_79 = arith.constant 0 : i32
    %dma_start3A_80 = tpu.memref_slice %arg7[%dma_start3A_76, %dma_start3A_77, %dma_start3A_78, %dma_start3A_79] : memref<2x40x4x128xf32, #tpu.memory_space<vmem>> -> memref<1x40x4x128xf32, #tpu.memory_space<vmem>>
    %dma_start3A_81 = tpu.memref_squeeze %dma_start3A_80 : memref<1x40x4x128xf32, #tpu.memory_space<vmem>> -> memref<40x4x128xf32, #tpu.memory_space<vmem>>
    %dma_start3A_82 = arith.constant 0 : i32
    %dma_start3A_83 = arith.constant 0 : i32
    %dma_start3A_84 = tpu.memref_slice %arg4[%dma_start3A_82, %select_n3A, %mul3A_32, %dma_start3A_83] : memref<200x16x8x128xf32, #tpu.memory_space<hbm>> -> memref<40x1x4x128xf32, #tpu.memory_space<hbm>>
    %dma_start3A_85 = tpu.memref_squeeze %dma_start3A_84 : memref<40x1x4x128xf32, #tpu.memory_space<hbm>> -> memref<40x4x128xf32, #tpu.memory_space<hbm>>
    %dma_start3A_86 = arith.constant 0 : i32
    %dma_start3A_87 = arith.constant 0 : i32
    %dma_start3A_88 = tpu.memref_slice %arg4[%dma_start3A_86, %select_n3A, %mul3A_32, %dma_start3A_87] : memref<200x16x8x128xf32, #tpu.memory_space<hbm>> -> memref<40x1x4x128xf32, #tpu.memory_space<hbm>>
    %dma_start3A_89 = tpu.memref_squeeze %dma_start3A_88 : memref<40x1x4x128xf32, #tpu.memory_space<hbm>> -> memref<40x4x128xf32, #tpu.memory_space<hbm>>
    %dma_start3A_90 = arith.constant 0 : i32
    %dma_start3A_91 = arith.constant 0 : i32
    %dma_start3A_92 = arith.constant 0 : i32
    %dma_start3A_93 = tpu.memref_slice %arg7[%dma_start3A_76, %dma_start3A_90, %dma_start3A_91, %dma_start3A_92] : memref<2x40x4x128xf32, #tpu.memory_space<vmem>> -> memref<1x40x4x128xf32, #tpu.memory_space<vmem>>
    %dma_start3A_94 = tpu.memref_squeeze %dma_start3A_93 : memref<1x40x4x128xf32, #tpu.memory_space<vmem>> -> memref<40x4x128xf32, #tpu.memory_space<vmem>>
    tpu.enqueue_dma source(%dma_start3A_94 : memref<40x4x128xf32, #tpu.memory_space<vmem>>) target(%dma_start3A_89 : memref<40x4x128xf32, #tpu.memory_space<hbm>>) target_semaphore(%arg10 : memref<!tpu.dma_semaphore, #tpu.memory_space<semaphore_mem>>)
    %mul3A_95 = arith.constant 128 : i32
    %mul3A_96 = arith.muli %add3A, %mul3A_95 : i32
    %dma_start3A_97 = arith.constant 0 : i32
    %dma_start3A_98 = arith.constant 0 : i32
    %dma_start3A_99 = arith.constant 0 : i32
    %dma_start3A_100 = tpu.memref_slice %arg6[%dma_start3A_97, %dma_start3A_98, %dma_start3A_99] : memref<2x40x128xi32, #tpu.memory_space<vmem>> -> memref<1x40x128xi32, #tpu.memory_space<vmem>>
    %dma_start3A_101 = tpu.memref_squeeze %dma_start3A_100 : memref<1x40x128xi32, #tpu.memory_space<vmem>> -> memref<40x128xi32, #tpu.memory_space<vmem>>
    %dma_start3A_102 = arith.constant 80 : i32
    %dma_start3A_103 = tpu.memref_slice %arg2[%dma_start3A_102, %mul3A_96] : memref<200x4096xi32, #tpu.memory_space<hbm>> -> memref<40x128xi32, #tpu.memory_space<hbm>>
    %dma_start3A_104 = arith.constant 0 : i32
    %dma_start3A_105 = arith.constant 0 : i32
    %dma_start3A_106 = tpu.memref_slice %arg6[%dma_start3A_97, %dma_start3A_104, %dma_start3A_105] : memref<2x40x128xi32, #tpu.memory_space<vmem>> -> memref<1x40x128xi32, #tpu.memory_space<vmem>>
    %dma_start3A_107 = tpu.memref_squeeze %dma_start3A_106 : memref<1x40x128xi32, #tpu.memory_space<vmem>> -> memref<40x128xi32, #tpu.memory_space<vmem>>
    %dma_start3A_108 = arith.constant 80 : i32
    %dma_start3A_109 = tpu.memref_slice %arg2[%dma_start3A_108, %mul3A_96] : memref<200x4096xi32, #tpu.memory_space<hbm>> -> memref<40x128xi32, #tpu.memory_space<hbm>>
    tpu.enqueue_dma source(%dma_start3A_109 : memref<40x128xi32, #tpu.memory_space<hbm>>) target(%dma_start3A_107 : memref<40x128xi32, #tpu.memory_space<vmem>>) target_semaphore(%arg8 : memref<!tpu.dma_semaphore, #tpu.memory_space<semaphore_mem>>)
    %dma_wait3A_110 = arith.constant 1 : i32
    %dma_wait3A_111 = arith.constant 0 : i32
    %dma_wait3A_112 = arith.constant 0 : i32
    %dma_wait3A_113 = tpu.memref_slice %arg6[%dma_wait3A_110, %dma_wait3A_111, %dma_wait3A_112] : memref<2x40x128xi32, #tpu.memory_space<vmem>> -> memref<1x40x128xi32, #tpu.memory_space<vmem>>
    %dma_wait3A_114 = tpu.memref_squeeze %dma_wait3A_113 : memref<1x40x128xi32, #tpu.memory_space<vmem>> -> memref<40x128xi32, #tpu.memory_space<vmem>>
    %dma_wait3A_115 = arith.constant 40 : i32
    %dma_wait3A_116 = tpu.memref_slice %arg2[%dma_wait3A_115, %mul3A_48] : memref<200x4096xi32, #tpu.memory_space<hbm>> -> memref<40x128xi32, #tpu.memory_space<hbm>>
    %dma_wait3A_117 = arith.constant 0 : i32
    %dma_wait3A_118 = arith.constant 0 : i32
    %dma_wait3A_119 = tpu.memref_slice %arg6[%dma_wait3A_110, %dma_wait3A_117, %dma_wait3A_118] : memref<2x40x128xi32, #tpu.memory_space<vmem>> -> memref<1x40x128xi32, #tpu.memory_space<vmem>>
    %dma_wait3A_120 = tpu.memref_squeeze %dma_wait3A_119 : memref<1x40x128xi32, #tpu.memory_space<vmem>> -> memref<40x128xi32, #tpu.memory_space<vmem>>
    %dma_wait3A_121 = arith.constant 40 : i32
    %dma_wait3A_122 = tpu.memref_slice %arg2[%dma_wait3A_121, %mul3A_48] : memref<200x4096xi32, #tpu.memory_space<hbm>> -> memref<40x128xi32, #tpu.memory_space<hbm>>
    tpu.wait_dma2 semaphore(%arg9 : memref<!tpu.dma_semaphore, #tpu.memory_space<semaphore_mem>>) src(%dma_wait3A_122 : memref<40x128xi32, #tpu.memory_space<hbm>>) dst(%dma_wait3A_120 : memref<40x128xi32, #tpu.memory_space<vmem>>)
    %parallel_loop3A_123 = arith.constant 0 : i32
    %parallel_loop3A_124 = arith.constant 320 : i32
    %parallel_loop3A_125 = arith.constant 1 : i32
    scf.for %parallel_loop3A_375 = %parallel_loop3A_123 to %parallel_loop3A_124 step %parallel_loop3A_125  : i32 {
      %parallel_loop3A_376 = arith.constant 8 : i32
      %parallel_loop3A_377 = arith.divsi %parallel_loop3A_375, %parallel_loop3A_376 : i32
      %parallel_loop3A_378 = arith.constant 0 : i32
      %parallel_loop3A_379 = arith.cmpi sgt, %parallel_loop3A_375, %parallel_loop3A_378 : i32
      %parallel_loop3A_380 = arith.extui %parallel_loop3A_379 : i1 to i32
      %parallel_loop3A_381 = arith.constant 0 : i32
      %parallel_loop3A_382 = arith.cmpi slt, %parallel_loop3A_375, %parallel_loop3A_381 : i32
      %parallel_loop3A_383 = arith.extui %parallel_loop3A_382 : i1 to i32
      %parallel_loop3A_384 = arith.subi %parallel_loop3A_380, %parallel_loop3A_383 : i32
      %parallel_loop3A_385 = arith.constant 0 : i32
      %parallel_loop3A_386 = arith.cmpi sgt, %parallel_loop3A_376, %parallel_loop3A_385 : i32
      %parallel_loop3A_387 = arith.extui %parallel_loop3A_386 : i1 to i32
      %parallel_loop3A_388 = arith.constant 0 : i32
      %parallel_loop3A_389 = arith.cmpi slt, %parallel_loop3A_376, %parallel_loop3A_388 : i32
      %parallel_loop3A_390 = arith.extui %parallel_loop3A_389 : i1 to i32
      %parallel_loop3A_391 = arith.subi %parallel_loop3A_387, %parallel_loop3A_390 : i32
      %parallel_loop3A_392 = arith.cmpi ne, %parallel_loop3A_384, %parallel_loop3A_391 : i32
      %parallel_loop3A_393 = arith.remsi %parallel_loop3A_375, %parallel_loop3A_376 : i32
      %parallel_loop3A_394 = arith.constant 0 : i32
      %parallel_loop3A_395 = arith.cmpi ne, %parallel_loop3A_393, %parallel_loop3A_394 : i32
      %parallel_loop3A_396 = arith.andi %parallel_loop3A_392, %parallel_loop3A_395 : i1
      %parallel_loop3A_397 = arith.constant 1 : i32
      %parallel_loop3A_398 = arith.subi %parallel_loop3A_377, %parallel_loop3A_397 : i32
      %parallel_loop3A_399 = arith.select %parallel_loop3A_396, %parallel_loop3A_398, %parallel_loop3A_377 : i32
      %parallel_loop3A_400 = arith.constant 8 : i32
      %parallel_loop3A_401 = arith.constant 0 : i32
      %parallel_loop3A_402 = arith.cmpi eq, %parallel_loop3A_400, %parallel_loop3A_401 : i32
      %parallel_loop3A_403 = arith.constant 1 : i32
      %parallel_loop3A_404 = arith.select %parallel_loop3A_402, %parallel_loop3A_403, %parallel_loop3A_400 : i32
      %parallel_loop3A_405 = arith.remsi %parallel_loop3A_375, %parallel_loop3A_404 : i32
      %parallel_loop3A_406 = arith.constant 0 : i32
      %parallel_loop3A_407 = arith.cmpi ne, %parallel_loop3A_405, %parallel_loop3A_406 : i32
      %parallel_loop3A_408 = arith.constant 0 : i32
      %parallel_loop3A_409 = arith.cmpi slt, %parallel_loop3A_405, %parallel_loop3A_408 : i32
      %parallel_loop3A_410 = arith.constant 0 : i32
      %parallel_loop3A_411 = arith.cmpi slt, %parallel_loop3A_404, %parallel_loop3A_410 : i32
      %parallel_loop3A_412 = arith.xori %parallel_loop3A_409, %parallel_loop3A_411 : i1
      %parallel_loop3A_413 = arith.andi %parallel_loop3A_412, %parallel_loop3A_407 : i1
      %parallel_loop3A_414 = arith.addi %parallel_loop3A_405, %parallel_loop3A_404 : i32
      %parallel_loop3A_415 = arith.select %parallel_loop3A_413, %parallel_loop3A_414, %parallel_loop3A_405 : i32
      %parallel_loop3A_416 = arith.constant 16 : i32
      %parallel_loop3A_417 = arith.muli %parallel_loop3A_415, %parallel_loop3A_416 : i32
      %parallel_loop3A_418 = arith.constant 1 : i32
      %parallel_loop3A_419 = arith.index_cast %parallel_loop3A_418 : i32 to index
      %parallel_loop3A_420 = arith.index_cast %parallel_loop3A_399 : i32 to index
      %parallel_loop3A_421 = arith.index_cast %parallel_loop3A_417 : i32 to index
      %parallel_loop3A_422 = tpu.vector_load %arg6[%parallel_loop3A_419, %parallel_loop3A_420, %parallel_loop3A_421] {strides = array<i32>} : memref<2x40x128xi32, #tpu.memory_space<vmem>>, vector<16xi32>,
      %parallel_loop3A_423 = arith.constant 4 : i32
      %parallel_loop3A_424 = vector.broadcast %parallel_loop3A_423 : i32 to vector<16xi32>
      %parallel_loop3A_425 = arith.muli %parallel_loop3A_422, %parallel_loop3A_424 : vector<16xi32>
      %parallel_loop3A_426 = arith.constant 0 : i32
      %parallel_loop3A_427 = vector.broadcast %parallel_loop3A_426 : i32 to vector<16xi32>
      %parallel_loop3A_428 = arith.addi %parallel_loop3A_425, %parallel_loop3A_427 : vector<16xi32>
      %parallel_loop3A_429 = tpu.vector_load_idx %arg5[%parallel_loop3A_428] : memref<6456xf32, #tpu.memory_space<vmem>>[vector<16xi32>], vector<16xf32>,
      %parallel_loop3A_430 = arith.constant 16 : i32
      %parallel_loop3A_431 = arith.muli %parallel_loop3A_415, %parallel_loop3A_430 : i32
      %parallel_loop3A_432 = arith.constant 1 : i32
      %parallel_loop3A_433 = arith.constant 0 : i32
      %parallel_loop3A_434 = arith.index_cast %parallel_loop3A_432 : i32 to index
      %parallel_loop3A_435 = arith.index_cast %parallel_loop3A_399 : i32 to index
      %parallel_loop3A_436 = arith.index_cast %parallel_loop3A_433 : i32 to index
      %parallel_loop3A_437 = arith.index_cast %parallel_loop3A_431 : i32 to index
      %parallel_loop3A_438 = tpu.vector_load %arg7[%parallel_loop3A_434, %parallel_loop3A_435, %parallel_loop3A_436, %parallel_loop3A_437] {strides = array<i32>} : memref<2x40x4x128xf32, #tpu.memory_space<vmem>>, vector<16xf32>,
      tpu.vector_store %arg7[%parallel_loop3A_434, %parallel_loop3A_435, %parallel_loop3A_436, %parallel_loop3A_437], %parallel_loop3A_429 {strides = array<i32>} : memref<2x40x4x128xf32, #tpu.memory_space<vmem>>, vector<16xf32>,
      %parallel_loop3A_439 = arith.constant 1 : i32
      %parallel_loop3A_440 = vector.broadcast %parallel_loop3A_439 : i32 to vector<16xi32>
      %parallel_loop3A_441 = arith.addi %parallel_loop3A_425, %parallel_loop3A_440 : vector<16xi32>
      %parallel_loop3A_442 = tpu.vector_load_idx %arg5[%parallel_loop3A_441] : memref<6456xf32, #tpu.memory_space<vmem>>[vector<16xi32>], vector<16xf32>,
      %parallel_loop3A_443 = arith.constant 16 : i32
      %parallel_loop3A_444 = arith.muli %parallel_loop3A_415, %parallel_loop3A_443 : i32
      %parallel_loop3A_445 = arith.constant 1 : i32
      %parallel_loop3A_446 = arith.constant 1 : i32
      %parallel_loop3A_447 = arith.index_cast %parallel_loop3A_445 : i32 to index
      %parallel_loop3A_448 = arith.index_cast %parallel_loop3A_399 : i32 to index
      %parallel_loop3A_449 = arith.index_cast %parallel_loop3A_446 : i32 to index
      %parallel_loop3A_450 = arith.index_cast %parallel_loop3A_444 : i32 to index
      %parallel_loop3A_451 = tpu.vector_load %arg7[%parallel_loop3A_447, %parallel_loop3A_448, %parallel_loop3A_449, %parallel_loop3A_450] {strides = array<i32>} : memref<2x40x4x128xf32, #tpu.memory_space<vmem>>, vector<16xf32>,
      tpu.vector_store %arg7[%parallel_loop3A_447, %parallel_loop3A_448, %parallel_loop3A_449, %parallel_loop3A_450], %parallel_loop3A_442 {strides = array<i32>} : memref<2x40x4x128xf32, #tpu.memory_space<vmem>>, vector<16xf32>,
      %parallel_loop3A_452 = arith.constant 2 : i32
      %parallel_loop3A_453 = vector.broadcast %parallel_loop3A_452 : i32 to vector<16xi32>
      %parallel_loop3A_454 = arith.addi %parallel_loop3A_425, %parallel_loop3A_453 : vector<16xi32>
      %parallel_loop3A_455 = tpu.vector_load_idx %arg5[%parallel_loop3A_454] : memref<6456xf32, #tpu.memory_space<vmem>>[vector<16xi32>], vector<16xf32>,
      %parallel_loop3A_456 = arith.constant 16 : i32
      %parallel_loop3A_457 = arith.muli %parallel_loop3A_415, %parallel_loop3A_456 : i32
      %parallel_loop3A_458 = arith.constant 1 : i32
      %parallel_loop3A_459 = arith.constant 2 : i32
      %parallel_loop3A_460 = arith.index_cast %parallel_loop3A_458 : i32 to index
      %parallel_loop3A_461 = arith.index_cast %parallel_loop3A_399 : i32 to index
      %parallel_loop3A_462 = arith.index_cast %parallel_loop3A_459 : i32 to index
      %parallel_loop3A_463 = arith.index_cast %parallel_loop3A_457 : i32 to index
      %parallel_loop3A_464 = tpu.vector_load %arg7[%parallel_loop3A_460, %parallel_loop3A_461, %parallel_loop3A_462, %parallel_loop3A_463] {strides = array<i32>} : memref<2x40x4x128xf32, #tpu.memory_space<vmem>>, vector<16xf32>,
      tpu.vector_store %arg7[%parallel_loop3A_460, %parallel_loop3A_461, %parallel_loop3A_462, %parallel_loop3A_463], %parallel_loop3A_455 {strides = array<i32>} : memref<2x40x4x128xf32, #tpu.memory_space<vmem>>, vector<16xf32>,
      %parallel_loop3A_465 = arith.constant 3 : i32
      %parallel_loop3A_466 = vector.broadcast %parallel_loop3A_465 : i32 to vector<16xi32>
      %parallel_loop3A_467 = arith.addi %parallel_loop3A_425, %parallel_loop3A_466 : vector<16xi32>
      %parallel_loop3A_468 = tpu.vector_load_idx %arg5[%parallel_loop3A_467] : memref<6456xf32, #tpu.memory_space<vmem>>[vector<16xi32>], vector<16xf32>,
      %parallel_loop3A_469 = arith.constant 16 : i32
      %parallel_loop3A_470 = arith.muli %parallel_loop3A_415, %parallel_loop3A_469 : i32
      %parallel_loop3A_471 = arith.constant 1 : i32
      %parallel_loop3A_472 = arith.constant 3 : i32
      %parallel_loop3A_473 = arith.index_cast %parallel_loop3A_471 : i32 to index
      %parallel_loop3A_474 = arith.index_cast %parallel_loop3A_399 : i32 to index
      %parallel_loop3A_475 = arith.index_cast %parallel_loop3A_472 : i32 to index
      %parallel_loop3A_476 = arith.index_cast %parallel_loop3A_470 : i32 to index
      %parallel_loop3A_477 = tpu.vector_load %arg7[%parallel_loop3A_473, %parallel_loop3A_474, %parallel_loop3A_475, %parallel_loop3A_476] {strides = array<i32>} : memref<2x40x4x128xf32, #tpu.memory_space<vmem>>, vector<16xf32>,
      tpu.vector_store %arg7[%parallel_loop3A_473, %parallel_loop3A_474, %parallel_loop3A_475, %parallel_loop3A_476], %parallel_loop3A_468 {strides = array<i32>} : memref<2x40x4x128xf32, #tpu.memory_space<vmem>>, vector<16xf32>,
    } {sc.loop_unroll_factor = 2 : i64, sc.parallel_access}
    %dma_start3A_126 = arith.constant 1 : i32
    %dma_start3A_127 = arith.constant 0 : i32
    %dma_start3A_128 = arith.constant 0 : i32
    %dma_start3A_129 = arith.constant 0 : i32
    %dma_start3A_130 = tpu.memref_slice %arg7[%dma_start3A_126, %dma_start3A_127, %dma_start3A_128, %dma_start3A_129] : memref<2x40x4x128xf32, #tpu.memory_space<vmem>> -> memref<1x40x4x128xf32, #tpu.memory_space<vmem>>
    %dma_start3A_131 = tpu.memref_squeeze %dma_start3A_130 : memref<1x40x4x128xf32, #tpu.memory_space<vmem>> -> memref<40x4x128xf32, #tpu.memory_space<vmem>>
    %dma_start3A_132 = arith.constant 40 : i32
    %dma_start3A_133 = arith.constant 0 : i32
    %dma_start3A_134 = tpu.memref_slice %arg4[%dma_start3A_132, %select_n3A, %mul3A_32, %dma_start3A_133] : memref<200x16x8x128xf32, #tpu.memory_space<hbm>> -> memref<40x1x4x128xf32, #tpu.memory_space<hbm>>
    %dma_start3A_135 = tpu.memref_squeeze %dma_start3A_134 : memref<40x1x4x128xf32, #tpu.memory_space<hbm>> -> memref<40x4x128xf32, #tpu.memory_space<hbm>>
    %dma_start3A_136 = arith.constant 40 : i32
    %dma_start3A_137 = arith.constant 0 : i32
    %dma_start3A_138 = tpu.memref_slice %arg4[%dma_start3A_136, %select_n3A, %mul3A_32, %dma_start3A_137] : memref<200x16x8x128xf32, #tpu.memory_space<hbm>> -> memref<40x1x4x128xf32, #tpu.memory_space<hbm>>
    %dma_start3A_139 = tpu.memref_squeeze %dma_start3A_138 : memref<40x1x4x128xf32, #tpu.memory_space<hbm>> -> memref<40x4x128xf32, #tpu.memory_space<hbm>>
    %dma_start3A_140 = arith.constant 0 : i32
    %dma_start3A_141 = arith.constant 0 : i32
    %dma_start3A_142 = arith.constant 0 : i32
    %dma_start3A_143 = tpu.memref_slice %arg7[%dma_start3A_126, %dma_start3A_140, %dma_start3A_141, %dma_start3A_142] : memref<2x40x4x128xf32, #tpu.memory_space<vmem>> -> memref<1x40x4x128xf32, #tpu.memory_space<vmem>>
    %dma_start3A_144 = tpu.memref_squeeze %dma_start3A_143 : memref<1x40x4x128xf32, #tpu.memory_space<vmem>> -> memref<40x4x128xf32, #tpu.memory_space<vmem>>
    tpu.enqueue_dma source(%dma_start3A_144 : memref<40x4x128xf32, #tpu.memory_space<vmem>>) target(%dma_start3A_139 : memref<40x4x128xf32, #tpu.memory_space<hbm>>) target_semaphore(%arg11 : memref<!tpu.dma_semaphore, #tpu.memory_space<semaphore_mem>>)
    %mul3A_145 = arith.constant 128 : i32
    %mul3A_146 = arith.muli %add3A, %mul3A_145 : i32
    %dma_start3A_147 = arith.constant 1 : i32
    %dma_start3A_148 = arith.constant 0 : i32
    %dma_start3A_149 = arith.constant 0 : i32
    %dma_start3A_150 = tpu.memref_slice %arg6[%dma_start3A_147, %dma_start3A_148, %dma_start3A_149] : memref<2x40x128xi32, #tpu.memory_space<vmem>> -> memref<1x40x128xi32, #tpu.memory_space<vmem>>
    %dma_start3A_151 = tpu.memref_squeeze %dma_start3A_150 : memref<1x40x128xi32, #tpu.memory_space<vmem>> -> memref<40x128xi32, #tpu.memory_space<vmem>>
    %dma_start3A_152 = arith.constant 120 : i32
    %dma_start3A_153 = tpu.memref_slice %arg2[%dma_start3A_152, %mul3A_146] : memref<200x4096xi32, #tpu.memory_space<hbm>> -> memref<40x128xi32, #tpu.memory_space<hbm>>
    %dma_start3A_154 = arith.constant 0 : i32
    %dma_start3A_155 = arith.constant 0 : i32
    %dma_start3A_156 = tpu.memref_slice %arg6[%dma_start3A_147, %dma_start3A_154, %dma_start3A_155] : memref<2x40x128xi32, #tpu.memory_space<vmem>> -> memref<1x40x128xi32, #tpu.memory_space<vmem>>
    %dma_start3A_157 = tpu.memref_squeeze %dma_start3A_156 : memref<1x40x128xi32, #tpu.memory_space<vmem>> -> memref<40x128xi32, #tpu.memory_space<vmem>>
    %dma_start3A_158 = arith.constant 120 : i32
    %dma_start3A_159 = tpu.memref_slice %arg2[%dma_start3A_158, %mul3A_146] : memref<200x4096xi32, #tpu.memory_space<hbm>> -> memref<40x128xi32, #tpu.memory_space<hbm>>
    tpu.enqueue_dma source(%dma_start3A_159 : memref<40x128xi32, #tpu.memory_space<hbm>>) target(%dma_start3A_157 : memref<40x128xi32, #tpu.memory_space<vmem>>) target_semaphore(%arg9 : memref<!tpu.dma_semaphore, #tpu.memory_space<semaphore_mem>>)
    %dma_wait3A_160 = arith.constant 0 : i32
    %dma_wait3A_161 = arith.constant 0 : i32
    %dma_wait3A_162 = arith.constant 0 : i32
    %dma_wait3A_163 = tpu.memref_slice %arg6[%dma_wait3A_160, %dma_wait3A_161, %dma_wait3A_162] : memref<2x40x128xi32, #tpu.memory_space<vmem>> -> memref<1x40x128xi32, #tpu.memory_space<vmem>>
    %dma_wait3A_164 = tpu.memref_squeeze %dma_wait3A_163 : memref<1x40x128xi32, #tpu.memory_space<vmem>> -> memref<40x128xi32, #tpu.memory_space<vmem>>
    %dma_wait3A_165 = arith.constant 80 : i32
    %dma_wait3A_166 = tpu.memref_slice %arg2[%dma_wait3A_165, %mul3A_96] : memref<200x4096xi32, #tpu.memory_space<hbm>> -> memref<40x128xi32, #tpu.memory_space<hbm>>
    %dma_wait3A_167 = arith.constant 0 : i32
    %dma_wait3A_168 = arith.constant 0 : i32
    %dma_wait3A_169 = tpu.memref_slice %arg6[%dma_wait3A_160, %dma_wait3A_167, %dma_wait3A_168] : memref<2x40x128xi32, #tpu.memory_space<vmem>> -> memref<1x40x128xi32, #tpu.memory_space<vmem>>
    %dma_wait3A_170 = tpu.memref_squeeze %dma_wait3A_169 : memref<1x40x128xi32, #tpu.memory_space<vmem>> -> memref<40x128xi32, #tpu.memory_space<vmem>>
    %dma_wait3A_171 = arith.constant 80 : i32
    %dma_wait3A_172 = tpu.memref_slice %arg2[%dma_wait3A_171, %mul3A_96] : memref<200x4096xi32, #tpu.memory_space<hbm>> -> memref<40x128xi32, #tpu.memory_space<hbm>>
    tpu.wait_dma2 semaphore(%arg8 : memref<!tpu.dma_semaphore, #tpu.memory_space<semaphore_mem>>) src(%dma_wait3A_172 : memref<40x128xi32, #tpu.memory_space<hbm>>) dst(%dma_wait3A_170 : memref<40x128xi32, #tpu.memory_space<vmem>>)
    %dma_wait3A_173 = arith.constant 0 : i32
    %dma_wait3A_174 = arith.constant 0 : i32
    %dma_wait3A_175 = arith.constant 0 : i32
    %dma_wait3A_176 = arith.constant 0 : i32
    %dma_wait3A_177 = tpu.memref_slice %arg7[%dma_wait3A_173, %dma_wait3A_174, %dma_wait3A_175, %dma_wait3A_176] : memref<2x40x4x128xf32, #tpu.memory_space<vmem>> -> memref<1x40x4x128xf32, #tpu.memory_space<vmem>>
    %dma_wait3A_178 = tpu.memref_squeeze %dma_wait3A_177 : memref<1x40x4x128xf32, #tpu.memory_space<vmem>> -> memref<40x4x128xf32, #tpu.memory_space<vmem>>
    %dma_wait3A_179 = arith.constant 0 : i32
    %dma_wait3A_180 = arith.constant 0 : i32
    %dma_wait3A_181 = tpu.memref_slice %arg4[%dma_wait3A_179, %select_n3A, %mul3A_32, %dma_wait3A_180] : memref<200x16x8x128xf32, #tpu.memory_space<hbm>> -> memref<40x1x4x128xf32, #tpu.memory_space<hbm>>
    %dma_wait3A_182 = tpu.memref_squeeze %dma_wait3A_181 : memref<40x1x4x128xf32, #tpu.memory_space<hbm>> -> memref<40x4x128xf32, #tpu.memory_space<hbm>>
    %dma_wait3A_183 = arith.constant 0 : i32
    %dma_wait3A_184 = arith.constant 0 : i32
    %dma_wait3A_185 = tpu.memref_slice %arg4[%dma_wait3A_183, %select_n3A, %mul3A_32, %dma_wait3A_184] : memref<200x16x8x128xf32, #tpu.memory_space<hbm>> -> memref<40x1x4x128xf32, #tpu.memory_space<hbm>>
    %dma_wait3A_186 = tpu.memref_squeeze %dma_wait3A_185 : memref<40x1x4x128xf32, #tpu.memory_space<hbm>> -> memref<40x4x128xf32, #tpu.memory_space<hbm>>
    %dma_wait3A_187 = arith.constant 0 : i32
    %dma_wait3A_188 = arith.constant 0 : i32
    %dma_wait3A_189 = arith.constant 0 : i32
    %dma_wait3A_190 = tpu.memref_slice %arg7[%dma_wait3A_173, %dma_wait3A_187, %dma_wait3A_188, %dma_wait3A_189] : memref<2x40x4x128xf32, #tpu.memory_space<vmem>> -> memref<1x40x4x128xf32, #tpu.memory_space<vmem>>
    %dma_wait3A_191 = tpu.memref_squeeze %dma_wait3A_190 : memref<1x40x4x128xf32, #tpu.memory_space<vmem>> -> memref<40x4x128xf32, #tpu.memory_space<vmem>>
    tpu.wait_dma2 semaphore(%arg10 : memref<!tpu.dma_semaphore, #tpu.memory_space<semaphore_mem>>) src(%dma_wait3A_191 : memref<40x4x128xf32, #tpu.memory_space<vmem>>) dst(%dma_wait3A_186 : memref<40x4x128xf32, #tpu.memory_space<hbm>>)
    %parallel_loop3A_192 = arith.constant 0 : i32
    %parallel_loop3A_193 = arith.constant 320 : i32
    %parallel_loop3A_194 = arith.constant 1 : i32
    scf.for %parallel_loop3A_375 = %parallel_loop3A_192 to %parallel_loop3A_193 step %parallel_loop3A_194  : i32 {
      %parallel_loop3A_376 = arith.constant 8 : i32
      %parallel_loop3A_377 = arith.divsi %parallel_loop3A_375, %parallel_loop3A_376 : i32
      %parallel_loop3A_378 = arith.constant 0 : i32
      %parallel_loop3A_379 = arith.cmpi sgt, %parallel_loop3A_375, %parallel_loop3A_378 : i32
      %parallel_loop3A_380 = arith.extui %parallel_loop3A_379 : i1 to i32
      %parallel_loop3A_381 = arith.constant 0 : i32
      %parallel_loop3A_382 = arith.cmpi slt, %parallel_loop3A_375, %parallel_loop3A_381 : i32
      %parallel_loop3A_383 = arith.extui %parallel_loop3A_382 : i1 to i32
      %parallel_loop3A_384 = arith.subi %parallel_loop3A_380, %parallel_loop3A_383 : i32
      %parallel_loop3A_385 = arith.constant 0 : i32
      %parallel_loop3A_386 = arith.cmpi sgt, %parallel_loop3A_376, %parallel_loop3A_385 : i32
      %parallel_loop3A_387 = arith.extui %parallel_loop3A_386 : i1 to i32
      %parallel_loop3A_388 = arith.constant 0 : i32
      %parallel_loop3A_389 = arith.cmpi slt, %parallel_loop3A_376, %parallel_loop3A_388 : i32
      %parallel_loop3A_390 = arith.extui %parallel_loop3A_389 : i1 to i32
      %parallel_loop3A_391 = arith.subi %parallel_loop3A_387, %parallel_loop3A_390 : i32
      %parallel_loop3A_392 = arith.cmpi ne, %parallel_loop3A_384, %parallel_loop3A_391 : i32
      %parallel_loop3A_393 = arith.remsi %parallel_loop3A_375, %parallel_loop3A_376 : i32
      %parallel_loop3A_394 = arith.constant 0 : i32
      %parallel_loop3A_395 = arith.cmpi ne, %parallel_loop3A_393, %parallel_loop3A_394 : i32
      %parallel_loop3A_396 = arith.andi %parallel_loop3A_392, %parallel_loop3A_395 : i1
      %parallel_loop3A_397 = arith.constant 1 : i32
      %parallel_loop3A_398 = arith.subi %parallel_loop3A_377, %parallel_loop3A_397 : i32
      %parallel_loop3A_399 = arith.select %parallel_loop3A_396, %parallel_loop3A_398, %parallel_loop3A_377 : i32
      %parallel_loop3A_400 = arith.constant 8 : i32
      %parallel_loop3A_401 = arith.constant 0 : i32
      %parallel_loop3A_402 = arith.cmpi eq, %parallel_loop3A_400, %parallel_loop3A_401 : i32
      %parallel_loop3A_403 = arith.constant 1 : i32
      %parallel_loop3A_404 = arith.select %parallel_loop3A_402, %parallel_loop3A_403, %parallel_loop3A_400 : i32
      %parallel_loop3A_405 = arith.remsi %parallel_loop3A_375, %parallel_loop3A_404 : i32
      %parallel_loop3A_406 = arith.constant 0 : i32
      %parallel_loop3A_407 = arith.cmpi ne, %parallel_loop3A_405, %parallel_loop3A_406 : i32
      %parallel_loop3A_408 = arith.constant 0 : i32
      %parallel_loop3A_409 = arith.cmpi slt, %parallel_loop3A_405, %parallel_loop3A_408 : i32
      %parallel_loop3A_410 = arith.constant 0 : i32
      %parallel_loop3A_411 = arith.cmpi slt, %parallel_loop3A_404, %parallel_loop3A_410 : i32
      %parallel_loop3A_412 = arith.xori %parallel_loop3A_409, %parallel_loop3A_411 : i1
      %parallel_loop3A_413 = arith.andi %parallel_loop3A_412, %parallel_loop3A_407 : i1
      %parallel_loop3A_414 = arith.addi %parallel_loop3A_405, %parallel_loop3A_404 : i32
      %parallel_loop3A_415 = arith.select %parallel_loop3A_413, %parallel_loop3A_414, %parallel_loop3A_405 : i32
      %parallel_loop3A_416 = arith.constant 16 : i32
      %parallel_loop3A_417 = arith.muli %parallel_loop3A_415, %parallel_loop3A_416 : i32
      %parallel_loop3A_418 = arith.constant 0 : i32
      %parallel_loop3A_419 = arith.index_cast %parallel_loop3A_418 : i32 to index
      %parallel_loop3A_420 = arith.index_cast %parallel_loop3A_399 : i32 to index
      %parallel_loop3A_421 = arith.index_cast %parallel_loop3A_417 : i32 to index
      %parallel_loop3A_422 = tpu.vector_load %arg6[%parallel_loop3A_419, %parallel_loop3A_420, %parallel_loop3A_421] {strides = array<i32>} : memref<2x40x128xi32, #tpu.memory_space<vmem>>, vector<16xi32>,
      %parallel_loop3A_423 = arith.constant 4 : i32
      %parallel_loop3A_424 = vector.broadcast %parallel_loop3A_423 : i32 to vector<16xi32>
      %parallel_loop3A_425 = arith.muli %parallel_loop3A_422, %parallel_loop3A_424 : vector<16xi32>
      %parallel_loop3A_426 = arith.constant 0 : i32
      %parallel_loop3A_427 = vector.broadcast %parallel_loop3A_426 : i32 to vector<16xi32>
      %parallel_loop3A_428 = arith.addi %parallel_loop3A_425, %parallel_loop3A_427 : vector<16xi32>
      %parallel_loop3A_429 = tpu.vector_load_idx %arg5[%parallel_loop3A_428] : memref<6456xf32, #tpu.memory_space<vmem>>[vector<16xi32>], vector<16xf32>,
      %parallel_loop3A_430 = arith.constant 16 : i32
      %parallel_loop3A_431 = arith.muli %parallel_loop3A_415, %parallel_loop3A_430 : i32
      %parallel_loop3A_432 = arith.constant 0 : i32
      %parallel_loop3A_433 = arith.constant 0 : i32
      %parallel_loop3A_434 = arith.index_cast %parallel_loop3A_432 : i32 to index
      %parallel_loop3A_435 = arith.index_cast %parallel_loop3A_399 : i32 to index
      %parallel_loop3A_436 = arith.index_cast %parallel_loop3A_433 : i32 to index
      %parallel_loop3A_437 = arith.index_cast %parallel_loop3A_431 : i32 to index
      %parallel_loop3A_438 = tpu.vector_load %arg7[%parallel_loop3A_434, %parallel_loop3A_435, %parallel_loop3A_436, %parallel_loop3A_437] {strides = array<i32>} : memref<2x40x4x128xf32, #tpu.memory_space<vmem>>, vector<16xf32>,
      tpu.vector_store %arg7[%parallel_loop3A_434, %parallel_loop3A_435, %parallel_loop3A_436, %parallel_loop3A_437], %parallel_loop3A_429 {strides = array<i32>} : memref<2x40x4x128xf32, #tpu.memory_space<vmem>>, vector<16xf32>,
      %parallel_loop3A_439 = arith.constant 1 : i32
      %parallel_loop3A_440 = vector.broadcast %parallel_loop3A_439 : i32 to vector<16xi32>
      %parallel_loop3A_441 = arith.addi %parallel_loop3A_425, %parallel_loop3A_440 : vector<16xi32>
      %parallel_loop3A_442 = tpu.vector_load_idx %arg5[%parallel_loop3A_441] : memref<6456xf32, #tpu.memory_space<vmem>>[vector<16xi32>], vector<16xf32>,
      %parallel_loop3A_443 = arith.constant 16 : i32
      %parallel_loop3A_444 = arith.muli %parallel_loop3A_415, %parallel_loop3A_443 : i32
      %parallel_loop3A_445 = arith.constant 0 : i32
      %parallel_loop3A_446 = arith.constant 1 : i32
      %parallel_loop3A_447 = arith.index_cast %parallel_loop3A_445 : i32 to index
      %parallel_loop3A_448 = arith.index_cast %parallel_loop3A_399 : i32 to index
      %parallel_loop3A_449 = arith.index_cast %parallel_loop3A_446 : i32 to index
      %parallel_loop3A_450 = arith.index_cast %parallel_loop3A_444 : i32 to index
      %parallel_loop3A_451 = tpu.vector_load %arg7[%parallel_loop3A_447, %parallel_loop3A_448, %parallel_loop3A_449, %parallel_loop3A_450] {strides = array<i32>} : memref<2x40x4x128xf32, #tpu.memory_space<vmem>>, vector<16xf32>,
      tpu.vector_store %arg7[%parallel_loop3A_447, %parallel_loop3A_448, %parallel_loop3A_449, %parallel_loop3A_450], %parallel_loop3A_442 {strides = array<i32>} : memref<2x40x4x128xf32, #tpu.memory_space<vmem>>, vector<16xf32>,
      %parallel_loop3A_452 = arith.constant 2 : i32
      %parallel_loop3A_453 = vector.broadcast %parallel_loop3A_452 : i32 to vector<16xi32>
      %parallel_loop3A_454 = arith.addi %parallel_loop3A_425, %parallel_loop3A_453 : vector<16xi32>
      %parallel_loop3A_455 = tpu.vector_load_idx %arg5[%parallel_loop3A_454] : memref<6456xf32, #tpu.memory_space<vmem>>[vector<16xi32>], vector<16xf32>,
      %parallel_loop3A_456 = arith.constant 16 : i32
      %parallel_loop3A_457 = arith.muli %parallel_loop3A_415, %parallel_loop3A_456 : i32
      %parallel_loop3A_458 = arith.constant 0 : i32
      %parallel_loop3A_459 = arith.constant 2 : i32
      %parallel_loop3A_460 = arith.index_cast %parallel_loop3A_458 : i32 to index
      %parallel_loop3A_461 = arith.index_cast %parallel_loop3A_399 : i32 to index
      %parallel_loop3A_462 = arith.index_cast %parallel_loop3A_459 : i32 to index
      %parallel_loop3A_463 = arith.index_cast %parallel_loop3A_457 : i32 to index
      %parallel_loop3A_464 = tpu.vector_load %arg7[%parallel_loop3A_460, %parallel_loop3A_461, %parallel_loop3A_462, %parallel_loop3A_463] {strides = array<i32>} : memref<2x40x4x128xf32, #tpu.memory_space<vmem>>, vector<16xf32>,
      tpu.vector_store %arg7[%parallel_loop3A_460, %parallel_loop3A_461, %parallel_loop3A_462, %parallel_loop3A_463], %parallel_loop3A_455 {strides = array<i32>} : memref<2x40x4x128xf32, #tpu.memory_space<vmem>>, vector<16xf32>,
      %parallel_loop3A_465 = arith.constant 3 : i32
      %parallel_loop3A_466 = vector.broadcast %parallel_loop3A_465 : i32 to vector<16xi32>
      %parallel_loop3A_467 = arith.addi %parallel_loop3A_425, %parallel_loop3A_466 : vector<16xi32>
      %parallel_loop3A_468 = tpu.vector_load_idx %arg5[%parallel_loop3A_467] : memref<6456xf32, #tpu.memory_space<vmem>>[vector<16xi32>], vector<16xf32>,
      %parallel_loop3A_469 = arith.constant 16 : i32
      %parallel_loop3A_470 = arith.muli %parallel_loop3A_415, %parallel_loop3A_469 : i32
      %parallel_loop3A_471 = arith.constant 0 : i32
      %parallel_loop3A_472 = arith.constant 3 : i32
      %parallel_loop3A_473 = arith.index_cast %parallel_loop3A_471 : i32 to index
      %parallel_loop3A_474 = arith.index_cast %parallel_loop3A_399 : i32 to index
      %parallel_loop3A_475 = arith.index_cast %parallel_loop3A_472 : i32 to index
      %parallel_loop3A_476 = arith.index_cast %parallel_loop3A_470 : i32 to index
      %parallel_loop3A_477 = tpu.vector_load %arg7[%parallel_loop3A_473, %parallel_loop3A_474, %parallel_loop3A_475, %parallel_loop3A_476] {strides = array<i32>} : memref<2x40x4x128xf32, #tpu.memory_space<vmem>>, vector<16xf32>,
      tpu.vector_store %arg7[%parallel_loop3A_473, %parallel_loop3A_474, %parallel_loop3A_475, %parallel_loop3A_476], %parallel_loop3A_468 {strides = array<i32>} : memref<2x40x4x128xf32, #tpu.memory_space<vmem>>, vector<16xf32>,
    } {sc.loop_unroll_factor = 2 : i64, sc.parallel_access}
    %dma_start3A_195 = arith.constant 0 : i32
    %dma_start3A_196 = arith.constant 0 : i32
    %dma_start3A_197 = arith.constant 0 : i32
    %dma_start3A_198 = arith.constant 0 : i32
    %dma_start3A_199 = tpu.memref_slice %arg7[%dma_start3A_195, %dma_start3A_196, %dma_start3A_197, %dma_start3A_198] : memref<2x40x4x128xf32, #tpu.memory_space<vmem>> -> memref<1x40x4x128xf32, #tpu.memory_space<vmem>>
    %dma_start3A_200 = tpu.memref_squeeze %dma_start3A_199 : memref<1x40x4x128xf32, #tpu.memory_space<vmem>> -> memref<40x4x128xf32, #tpu.memory_space<vmem>>
    %dma_start3A_201 = arith.constant 80 : i32
    %dma_start3A_202 = arith.constant 0 : i32
    %dma_start3A_203 = tpu.memref_slice %arg4[%dma_start3A_201, %select_n3A, %mul3A_32, %dma_start3A_202] : memref<200x16x8x128xf32, #tpu.memory_space<hbm>> -> memref<40x1x4x128xf32, #tpu.memory_space<hbm>>
    %dma_start3A_204 = tpu.memref_squeeze %dma_start3A_203 : memref<40x1x4x128xf32, #tpu.memory_space<hbm>> -> memref<40x4x128xf32, #tpu.memory_space<hbm>>
    %dma_start3A_205 = arith.constant 80 : i32
    %dma_start3A_206 = arith.constant 0 : i32
    %dma_start3A_207 = tpu.memref_slice %arg4[%dma_start3A_205, %select_n3A, %mul3A_32, %dma_start3A_206] : memref<200x16x8x128xf32, #tpu.memory_space<hbm>> -> memref<40x1x4x128xf32, #tpu.memory_space<hbm>>
    %dma_start3A_208 = tpu.memref_squeeze %dma_start3A_207 : memref<40x1x4x128xf32, #tpu.memory_space<hbm>> -> memref<40x4x128xf32, #tpu.memory_space<hbm>>
    %dma_start3A_209 = arith.constant 0 : i32
    %dma_start3A_210 = arith.constant 0 : i32
    %dma_start3A_211 = arith.constant 0 : i32
    %dma_start3A_212 = tpu.memref_slice %arg7[%dma_start3A_195, %dma_start3A_209, %dma_start3A_210, %dma_start3A_211] : memref<2x40x4x128xf32, #tpu.memory_space<vmem>> -> memref<1x40x4x128xf32, #tpu.memory_space<vmem>>
    %dma_start3A_213 = tpu.memref_squeeze %dma_start3A_212 : memref<1x40x4x128xf32, #tpu.memory_space<vmem>> -> memref<40x4x128xf32, #tpu.memory_space<vmem>>
    tpu.enqueue_dma source(%dma_start3A_213 : memref<40x4x128xf32, #tpu.memory_space<vmem>>) target(%dma_start3A_208 : memref<40x4x128xf32, #tpu.memory_space<hbm>>) target_semaphore(%arg10 : memref<!tpu.dma_semaphore, #tpu.memory_space<semaphore_mem>>)
    %mul3A_214 = arith.constant 128 : i32
    %mul3A_215 = arith.muli %add3A, %mul3A_214 : i32
    %dma_start3A_216 = arith.constant 0 : i32
    %dma_start3A_217 = arith.constant 0 : i32
    %dma_start3A_218 = arith.constant 0 : i32
    %dma_start3A_219 = tpu.memref_slice %arg6[%dma_start3A_216, %dma_start3A_217, %dma_start3A_218] : memref<2x40x128xi32, #tpu.memory_space<vmem>> -> memref<1x40x128xi32, #tpu.memory_space<vmem>>
    %dma_start3A_220 = tpu.memref_squeeze %dma_start3A_219 : memref<1x40x128xi32, #tpu.memory_space<vmem>> -> memref<40x128xi32, #tpu.memory_space<vmem>>
    %dma_start3A_221 = arith.constant 160 : i32
    %dma_start3A_222 = tpu.memref_slice %arg2[%dma_start3A_221, %mul3A_215] : memref<200x4096xi32, #tpu.memory_space<hbm>> -> memref<40x128xi32, #tpu.memory_space<hbm>>
    %dma_start3A_223 = arith.constant 0 : i32
    %dma_start3A_224 = arith.constant 0 : i32
    %dma_start3A_225 = tpu.memref_slice %arg6[%dma_start3A_216, %dma_start3A_223, %dma_start3A_224] : memref<2x40x128xi32, #tpu.memory_space<vmem>> -> memref<1x40x128xi32, #tpu.memory_space<vmem>>
    %dma_start3A_226 = tpu.memref_squeeze %dma_start3A_225 : memref<1x40x128xi32, #tpu.memory_space<vmem>> -> memref<40x128xi32, #tpu.memory_space<vmem>>
    %dma_start3A_227 = arith.constant 160 : i32
    %dma_start3A_228 = tpu.memref_slice %arg2[%dma_start3A_227, %mul3A_215] : memref<200x4096xi32, #tpu.memory_space<hbm>> -> memref<40x128xi32, #tpu.memory_space<hbm>>
    tpu.enqueue_dma source(%dma_start3A_228 : memref<40x128xi32, #tpu.memory_space<hbm>>) target(%dma_start3A_226 : memref<40x128xi32, #tpu.memory_space<vmem>>) target_semaphore(%arg8 : memref<!tpu.dma_semaphore, #tpu.memory_space<semaphore_mem>>)
    %dma_wait3A_229 = arith.constant 1 : i32
    %dma_wait3A_230 = arith.constant 0 : i32
    %dma_wait3A_231 = arith.constant 0 : i32
    %dma_wait3A_232 = tpu.memref_slice %arg6[%dma_wait3A_229, %dma_wait3A_230, %dma_wait3A_231] : memref<2x40x128xi32, #tpu.memory_space<vmem>> -> memref<1x40x128xi32, #tpu.memory_space<vmem>>
    %dma_wait3A_233 = tpu.memref_squeeze %dma_wait3A_232 : memref<1x40x128xi32, #tpu.memory_space<vmem>> -> memref<40x128xi32, #tpu.memory_space<vmem>>
    %dma_wait3A_234 = arith.constant 120 : i32
    %dma_wait3A_235 = tpu.memref_slice %arg2[%dma_wait3A_234, %mul3A_146] : memref<200x4096xi32, #tpu.memory_space<hbm>> -> memref<40x128xi32, #tpu.memory_space<hbm>>
    %dma_wait3A_236 = arith.constant 0 : i32
    %dma_wait3A_237 = arith.constant 0 : i32
    %dma_wait3A_238 = tpu.memref_slice %arg6[%dma_wait3A_229, %dma_wait3A_236, %dma_wait3A_237] : memref<2x40x128xi32, #tpu.memory_space<vmem>> -> memref<1x40x128xi32, #tpu.memory_space<vmem>>
    %dma_wait3A_239 = tpu.memref_squeeze %dma_wait3A_238 : memref<1x40x128xi32, #tpu.memory_space<vmem>> -> memref<40x128xi32, #tpu.memory_space<vmem>>
    %dma_wait3A_240 = arith.constant 120 : i32
    %dma_wait3A_241 = tpu.memref_slice %arg2[%dma_wait3A_240, %mul3A_146] : memref<200x4096xi32, #tpu.memory_space<hbm>> -> memref<40x128xi32, #tpu.memory_space<hbm>>
    tpu.wait_dma2 semaphore(%arg9 : memref<!tpu.dma_semaphore, #tpu.memory_space<semaphore_mem>>) src(%dma_wait3A_241 : memref<40x128xi32, #tpu.memory_space<hbm>>) dst(%dma_wait3A_239 : memref<40x128xi32, #tpu.memory_space<vmem>>)
    %dma_wait3A_242 = arith.constant 1 : i32
    %dma_wait3A_243 = arith.constant 0 : i32
    %dma_wait3A_244 = arith.constant 0 : i32
    %dma_wait3A_245 = arith.constant 0 : i32
    %dma_wait3A_246 = tpu.memref_slice %arg7[%dma_wait3A_242, %dma_wait3A_243, %dma_wait3A_244, %dma_wait3A_245] : memref<2x40x4x128xf32, #tpu.memory_space<vmem>> -> memref<1x40x4x128xf32, #tpu.memory_space<vmem>>
    %dma_wait3A_247 = tpu.memref_squeeze %dma_wait3A_246 : memref<1x40x4x128xf32, #tpu.memory_space<vmem>> -> memref<40x4x128xf32, #tpu.memory_space<vmem>>
    %dma_wait3A_248 = arith.constant 40 : i32
    %dma_wait3A_249 = arith.constant 0 : i32
    %dma_wait3A_250 = tpu.memref_slice %arg4[%dma_wait3A_248, %select_n3A, %mul3A_32, %dma_wait3A_249] : memref<200x16x8x128xf32, #tpu.memory_space<hbm>> -> memref<40x1x4x128xf32, #tpu.memory_space<hbm>>
    %dma_wait3A_251 = tpu.memref_squeeze %dma_wait3A_250 : memref<40x1x4x128xf32, #tpu.memory_space<hbm>> -> memref<40x4x128xf32, #tpu.memory_space<hbm>>
    %dma_wait3A_252 = arith.constant 40 : i32
    %dma_wait3A_253 = arith.constant 0 : i32
    %dma_wait3A_254 = tpu.memref_slice %arg4[%dma_wait3A_252, %select_n3A, %mul3A_32, %dma_wait3A_253] : memref<200x16x8x128xf32, #tpu.memory_space<hbm>> -> memref<40x1x4x128xf32, #tpu.memory_space<hbm>>
    %dma_wait3A_255 = tpu.memref_squeeze %dma_wait3A_254 : memref<40x1x4x128xf32, #tpu.memory_space<hbm>> -> memref<40x4x128xf32, #tpu.memory_space<hbm>>
    %dma_wait3A_256 = arith.constant 0 : i32
    %dma_wait3A_257 = arith.constant 0 : i32
    %dma_wait3A_258 = arith.constant 0 : i32
    %dma_wait3A_259 = tpu.memref_slice %arg7[%dma_wait3A_242, %dma_wait3A_256, %dma_wait3A_257, %dma_wait3A_258] : memref<2x40x4x128xf32, #tpu.memory_space<vmem>> -> memref<1x40x4x128xf32, #tpu.memory_space<vmem>>
    %dma_wait3A_260 = tpu.memref_squeeze %dma_wait3A_259 : memref<1x40x4x128xf32, #tpu.memory_space<vmem>> -> memref<40x4x128xf32, #tpu.memory_space<vmem>>
    tpu.wait_dma2 semaphore(%arg11 : memref<!tpu.dma_semaphore, #tpu.memory_space<semaphore_mem>>) src(%dma_wait3A_260 : memref<40x4x128xf32, #tpu.memory_space<vmem>>) dst(%dma_wait3A_255 : memref<40x4x128xf32, #tpu.memory_space<hbm>>)
    %parallel_loop3A_261 = arith.constant 0 : i32
    %parallel_loop3A_262 = arith.constant 320 : i32
    %parallel_loop3A_263 = arith.constant 1 : i32
    scf.for %parallel_loop3A_375 = %parallel_loop3A_261 to %parallel_loop3A_262 step %parallel_loop3A_263  : i32 {
      %parallel_loop3A_376 = arith.constant 8 : i32
      %parallel_loop3A_377 = arith.divsi %parallel_loop3A_375, %parallel_loop3A_376 : i32
      %parallel_loop3A_378 = arith.constant 0 : i32
      %parallel_loop3A_379 = arith.cmpi sgt, %parallel_loop3A_375, %parallel_loop3A_378 : i32
      %parallel_loop3A_380 = arith.extui %parallel_loop3A_379 : i1 to i32
      %parallel_loop3A_381 = arith.constant 0 : i32
      %parallel_loop3A_382 = arith.cmpi slt, %parallel_loop3A_375, %parallel_loop3A_381 : i32
      %parallel_loop3A_383 = arith.extui %parallel_loop3A_382 : i1 to i32
      %parallel_loop3A_384 = arith.subi %parallel_loop3A_380, %parallel_loop3A_383 : i32
      %parallel_loop3A_385 = arith.constant 0 : i32
      %parallel_loop3A_386 = arith.cmpi sgt, %parallel_loop3A_376, %parallel_loop3A_385 : i32
      %parallel_loop3A_387 = arith.extui %parallel_loop3A_386 : i1 to i32
      %parallel_loop3A_388 = arith.constant 0 : i32
      %parallel_loop3A_389 = arith.cmpi slt, %parallel_loop3A_376, %parallel_loop3A_388 : i32
      %parallel_loop3A_390 = arith.extui %parallel_loop3A_389 : i1 to i32
      %parallel_loop3A_391 = arith.subi %parallel_loop3A_387, %parallel_loop3A_390 : i32
      %parallel_loop3A_392 = arith.cmpi ne, %parallel_loop3A_384, %parallel_loop3A_391 : i32
      %parallel_loop3A_393 = arith.remsi %parallel_loop3A_375, %parallel_loop3A_376 : i32
      %parallel_loop3A_394 = arith.constant 0 : i32
      %parallel_loop3A_395 = arith.cmpi ne, %parallel_loop3A_393, %parallel_loop3A_394 : i32
      %parallel_loop3A_396 = arith.andi %parallel_loop3A_392, %parallel_loop3A_395 : i1
      %parallel_loop3A_397 = arith.constant 1 : i32
      %parallel_loop3A_398 = arith.subi %parallel_loop3A_377, %parallel_loop3A_397 : i32
      %parallel_loop3A_399 = arith.select %parallel_loop3A_396, %parallel_loop3A_398, %parallel_loop3A_377 : i32
      %parallel_loop3A_400 = arith.constant 8 : i32
      %parallel_loop3A_401 = arith.constant 0 : i32
      %parallel_loop3A_402 = arith.cmpi eq, %parallel_loop3A_400, %parallel_loop3A_401 : i32
      %parallel_loop3A_403 = arith.constant 1 : i32
      %parallel_loop3A_404 = arith.select %parallel_loop3A_402, %parallel_loop3A_403, %parallel_loop3A_400 : i32
      %parallel_loop3A_405 = arith.remsi %parallel_loop3A_375, %parallel_loop3A_404 : i32
      %parallel_loop3A_406 = arith.constant 0 : i32
      %parallel_loop3A_407 = arith.cmpi ne, %parallel_loop3A_405, %parallel_loop3A_406 : i32
      %parallel_loop3A_408 = arith.constant 0 : i32
      %parallel_loop3A_409 = arith.cmpi slt, %parallel_loop3A_405, %parallel_loop3A_408 : i32
      %parallel_loop3A_410 = arith.constant 0 : i32
      %parallel_loop3A_411 = arith.cmpi slt, %parallel_loop3A_404, %parallel_loop3A_410 : i32
      %parallel_loop3A_412 = arith.xori %parallel_loop3A_409, %parallel_loop3A_411 : i1
      %parallel_loop3A_413 = arith.andi %parallel_loop3A_412, %parallel_loop3A_407 : i1
      %parallel_loop3A_414 = arith.addi %parallel_loop3A_405, %parallel_loop3A_404 : i32
      %parallel_loop3A_415 = arith.select %parallel_loop3A_413, %parallel_loop3A_414, %parallel_loop3A_405 : i32
      %parallel_loop3A_416 = arith.constant 16 : i32
      %parallel_loop3A_417 = arith.muli %parallel_loop3A_415, %parallel_loop3A_416 : i32
      %parallel_loop3A_418 = arith.constant 1 : i32
      %parallel_loop3A_419 = arith.index_cast %parallel_loop3A_418 : i32 to index
      %parallel_loop3A_420 = arith.index_cast %parallel_loop3A_399 : i32 to index
      %parallel_loop3A_421 = arith.index_cast %parallel_loop3A_417 : i32 to index
      %parallel_loop3A_422 = tpu.vector_load %arg6[%parallel_loop3A_419, %parallel_loop3A_420, %parallel_loop3A_421] {strides = array<i32>} : memref<2x40x128xi32, #tpu.memory_space<vmem>>, vector<16xi32>,
      %parallel_loop3A_423 = arith.constant 4 : i32
      %parallel_loop3A_424 = vector.broadcast %parallel_loop3A_423 : i32 to vector<16xi32>
      %parallel_loop3A_425 = arith.muli %parallel_loop3A_422, %parallel_loop3A_424 : vector<16xi32>
      %parallel_loop3A_426 = arith.constant 0 : i32
      %parallel_loop3A_427 = vector.broadcast %parallel_loop3A_426 : i32 to vector<16xi32>
      %parallel_loop3A_428 = arith.addi %parallel_loop3A_425, %parallel_loop3A_427 : vector<16xi32>
      %parallel_loop3A_429 = tpu.vector_load_idx %arg5[%parallel_loop3A_428] : memref<6456xf32, #tpu.memory_space<vmem>>[vector<16xi32>], vector<16xf32>,
      %parallel_loop3A_430 = arith.constant 16 : i32
      %parallel_loop3A_431 = arith.muli %parallel_loop3A_415, %parallel_loop3A_430 : i32
      %parallel_loop3A_432 = arith.constant 1 : i32
      %parallel_loop3A_433 = arith.constant 0 : i32
      %parallel_loop3A_434 = arith.index_cast %parallel_loop3A_432 : i32 to index
      %parallel_loop3A_435 = arith.index_cast %parallel_loop3A_399 : i32 to index
      %parallel_loop3A_436 = arith.index_cast %parallel_loop3A_433 : i32 to index
      %parallel_loop3A_437 = arith.index_cast %parallel_loop3A_431 : i32 to index
      %parallel_loop3A_438 = tpu.vector_load %arg7[%parallel_loop3A_434, %parallel_loop3A_435, %parallel_loop3A_436, %parallel_loop3A_437] {strides = array<i32>} : memref<2x40x4x128xf32, #tpu.memory_space<vmem>>, vector<16xf32>,
      tpu.vector_store %arg7[%parallel_loop3A_434, %parallel_loop3A_435, %parallel_loop3A_436, %parallel_loop3A_437], %parallel_loop3A_429 {strides = array<i32>} : memref<2x40x4x128xf32, #tpu.memory_space<vmem>>, vector<16xf32>,
      %parallel_loop3A_439 = arith.constant 1 : i32
      %parallel_loop3A_440 = vector.broadcast %parallel_loop3A_439 : i32 to vector<16xi32>
      %parallel_loop3A_441 = arith.addi %parallel_loop3A_425, %parallel_loop3A_440 : vector<16xi32>
      %parallel_loop3A_442 = tpu.vector_load_idx %arg5[%parallel_loop3A_441] : memref<6456xf32, #tpu.memory_space<vmem>>[vector<16xi32>], vector<16xf32>,
      %parallel_loop3A_443 = arith.constant 16 : i32
      %parallel_loop3A_444 = arith.muli %parallel_loop3A_415, %parallel_loop3A_443 : i32
      %parallel_loop3A_445 = arith.constant 1 : i32
      %parallel_loop3A_446 = arith.constant 1 : i32
      %parallel_loop3A_447 = arith.index_cast %parallel_loop3A_445 : i32 to index
      %parallel_loop3A_448 = arith.index_cast %parallel_loop3A_399 : i32 to index
      %parallel_loop3A_449 = arith.index_cast %parallel_loop3A_446 : i32 to index
      %parallel_loop3A_450 = arith.index_cast %parallel_loop3A_444 : i32 to index
      %parallel_loop3A_451 = tpu.vector_load %arg7[%parallel_loop3A_447, %parallel_loop3A_448, %parallel_loop3A_449, %parallel_loop3A_450] {strides = array<i32>} : memref<2x40x4x128xf32, #tpu.memory_space<vmem>>, vector<16xf32>,
      tpu.vector_store %arg7[%parallel_loop3A_447, %parallel_loop3A_448, %parallel_loop3A_449, %parallel_loop3A_450], %parallel_loop3A_442 {strides = array<i32>} : memref<2x40x4x128xf32, #tpu.memory_space<vmem>>, vector<16xf32>,
      %parallel_loop3A_452 = arith.constant 2 : i32
      %parallel_loop3A_453 = vector.broadcast %parallel_loop3A_452 : i32 to vector<16xi32>
      %parallel_loop3A_454 = arith.addi %parallel_loop3A_425, %parallel_loop3A_453 : vector<16xi32>
      %parallel_loop3A_455 = tpu.vector_load_idx %arg5[%parallel_loop3A_454] : memref<6456xf32, #tpu.memory_space<vmem>>[vector<16xi32>], vector<16xf32>,
      %parallel_loop3A_456 = arith.constant 16 : i32
      %parallel_loop3A_457 = arith.muli %parallel_loop3A_415, %parallel_loop3A_456 : i32
      %parallel_loop3A_458 = arith.constant 1 : i32
      %parallel_loop3A_459 = arith.constant 2 : i32
      %parallel_loop3A_460 = arith.index_cast %parallel_loop3A_458 : i32 to index
      %parallel_loop3A_461 = arith.index_cast %parallel_loop3A_399 : i32 to index
      %parallel_loop3A_462 = arith.index_cast %parallel_loop3A_459 : i32 to index
      %parallel_loop3A_463 = arith.index_cast %parallel_loop3A_457 : i32 to index
      %parallel_loop3A_464 = tpu.vector_load %arg7[%parallel_loop3A_460, %parallel_loop3A_461, %parallel_loop3A_462, %parallel_loop3A_463] {strides = array<i32>} : memref<2x40x4x128xf32, #tpu.memory_space<vmem>>, vector<16xf32>,
      tpu.vector_store %arg7[%parallel_loop3A_460, %parallel_loop3A_461, %parallel_loop3A_462, %parallel_loop3A_463], %parallel_loop3A_455 {strides = array<i32>} : memref<2x40x4x128xf32, #tpu.memory_space<vmem>>, vector<16xf32>,
      %parallel_loop3A_465 = arith.constant 3 : i32
      %parallel_loop3A_466 = vector.broadcast %parallel_loop3A_465 : i32 to vector<16xi32>
      %parallel_loop3A_467 = arith.addi %parallel_loop3A_425, %parallel_loop3A_466 : vector<16xi32>
      %parallel_loop3A_468 = tpu.vector_load_idx %arg5[%parallel_loop3A_467] : memref<6456xf32, #tpu.memory_space<vmem>>[vector<16xi32>], vector<16xf32>,
      %parallel_loop3A_469 = arith.constant 16 : i32
      %parallel_loop3A_470 = arith.muli %parallel_loop3A_415, %parallel_loop3A_469 : i32
      %parallel_loop3A_471 = arith.constant 1 : i32
      %parallel_loop3A_472 = arith.constant 3 : i32
      %parallel_loop3A_473 = arith.index_cast %parallel_loop3A_471 : i32 to index
      %parallel_loop3A_474 = arith.index_cast %parallel_loop3A_399 : i32 to index
      %parallel_loop3A_475 = arith.index_cast %parallel_loop3A_472 : i32 to index
      %parallel_loop3A_476 = arith.index_cast %parallel_loop3A_470 : i32 to index
      %parallel_loop3A_477 = tpu.vector_load %arg7[%parallel_loop3A_473, %parallel_loop3A_474, %parallel_loop3A_475, %parallel_loop3A_476] {strides = array<i32>} : memref<2x40x4x128xf32, #tpu.memory_space<vmem>>, vector<16xf32>,
      tpu.vector_store %arg7[%parallel_loop3A_473, %parallel_loop3A_474, %parallel_loop3A_475, %parallel_loop3A_476], %parallel_loop3A_468 {strides = array<i32>} : memref<2x40x4x128xf32, #tpu.memory_space<vmem>>, vector<16xf32>,
    } {sc.loop_unroll_factor = 2 : i64, sc.parallel_access}
    %dma_start3A_264 = arith.constant 1 : i32
    %dma_start3A_265 = arith.constant 0 : i32
    %dma_start3A_266 = arith.constant 0 : i32
    %dma_start3A_267 = arith.constant 0 : i32
    %dma_start3A_268 = tpu.memref_slice %arg7[%dma_start3A_264, %dma_start3A_265, %dma_start3A_266, %dma_start3A_267] : memref<2x40x4x128xf32, #tpu.memory_space<vmem>> -> memref<1x40x4x128xf32, #tpu.memory_space<vmem>>
    %dma_start3A_269 = tpu.memref_squeeze %dma_start3A_268 : memref<1x40x4x128xf32, #tpu.memory_space<vmem>> -> memref<40x4x128xf32, #tpu.memory_space<vmem>>
    %dma_start3A_270 = arith.constant 120 : i32
    %dma_start3A_271 = arith.constant 0 : i32
    %dma_start3A_272 = tpu.memref_slice %arg4[%dma_start3A_270, %select_n3A, %mul3A_32, %dma_start3A_271] : memref<200x16x8x128xf32, #tpu.memory_space<hbm>> -> memref<40x1x4x128xf32, #tpu.memory_space<hbm>>
    %dma_start3A_273 = tpu.memref_squeeze %dma_start3A_272 : memref<40x1x4x128xf32, #tpu.memory_space<hbm>> -> memref<40x4x128xf32, #tpu.memory_space<hbm>>
    %dma_start3A_274 = arith.constant 120 : i32
    %dma_start3A_275 = arith.constant 0 : i32
    %dma_start3A_276 = tpu.memref_slice %arg4[%dma_start3A_274, %select_n3A, %mul3A_32, %dma_start3A_275] : memref<200x16x8x128xf32, #tpu.memory_space<hbm>> -> memref<40x1x4x128xf32, #tpu.memory_space<hbm>>
    %dma_start3A_277 = tpu.memref_squeeze %dma_start3A_276 : memref<40x1x4x128xf32, #tpu.memory_space<hbm>> -> memref<40x4x128xf32, #tpu.memory_space<hbm>>
    %dma_start3A_278 = arith.constant 0 : i32
    %dma_start3A_279 = arith.constant 0 : i32
    %dma_start3A_280 = arith.constant 0 : i32
    %dma_start3A_281 = tpu.memref_slice %arg7[%dma_start3A_264, %dma_start3A_278, %dma_start3A_279, %dma_start3A_280] : memref<2x40x4x128xf32, #tpu.memory_space<vmem>> -> memref<1x40x4x128xf32, #tpu.memory_space<vmem>>
    %dma_start3A_282 = tpu.memref_squeeze %dma_start3A_281 : memref<1x40x4x128xf32, #tpu.memory_space<vmem>> -> memref<40x4x128xf32, #tpu.memory_space<vmem>>
    tpu.enqueue_dma source(%dma_start3A_282 : memref<40x4x128xf32, #tpu.memory_space<vmem>>) target(%dma_start3A_277 : memref<40x4x128xf32, #tpu.memory_space<hbm>>) target_semaphore(%arg11 : memref<!tpu.dma_semaphore, #tpu.memory_space<semaphore_mem>>)
    %dma_wait3A_283 = arith.constant 0 : i32
    %dma_wait3A_284 = arith.constant 0 : i32
    %dma_wait3A_285 = arith.constant 0 : i32
    %dma_wait3A_286 = tpu.memref_slice %arg6[%dma_wait3A_283, %dma_wait3A_284, %dma_wait3A_285] : memref<2x40x128xi32, #tpu.memory_space<vmem>> -> memref<1x40x128xi32, #tpu.memory_space<vmem>>
    %dma_wait3A_287 = tpu.memref_squeeze %dma_wait3A_286 : memref<1x40x128xi32, #tpu.memory_space<vmem>> -> memref<40x128xi32, #tpu.memory_space<vmem>>
    %dma_wait3A_288 = arith.constant 160 : i32
    %dma_wait3A_289 = tpu.memref_slice %arg2[%dma_wait3A_288, %mul3A_215] : memref<200x4096xi32, #tpu.memory_space<hbm>> -> memref<40x128xi32, #tpu.memory_space<hbm>>
    %dma_wait3A_290 = arith.constant 0 : i32
    %dma_wait3A_291 = arith.constant 0 : i32
    %dma_wait3A_292 = tpu.memref_slice %arg6[%dma_wait3A_283, %dma_wait3A_290, %dma_wait3A_291] : memref<2x40x128xi32, #tpu.memory_space<vmem>> -> memref<1x40x128xi32, #tpu.memory_space<vmem>>
    %dma_wait3A_293 = tpu.memref_squeeze %dma_wait3A_292 : memref<1x40x128xi32, #tpu.memory_space<vmem>> -> memref<40x128xi32, #tpu.memory_space<vmem>>
    %dma_wait3A_294 = arith.constant 160 : i32
    %dma_wait3A_295 = tpu.memref_slice %arg2[%dma_wait3A_294, %mul3A_215] : memref<200x4096xi32, #tpu.memory_space<hbm>> -> memref<40x128xi32, #tpu.memory_space<hbm>>
    tpu.wait_dma2 semaphore(%arg8 : memref<!tpu.dma_semaphore, #tpu.memory_space<semaphore_mem>>) src(%dma_wait3A_295 : memref<40x128xi32, #tpu.memory_space<hbm>>) dst(%dma_wait3A_293 : memref<40x128xi32, #tpu.memory_space<vmem>>)
    %dma_wait3A_296 = arith.constant 0 : i32
    %dma_wait3A_297 = arith.constant 0 : i32
    %dma_wait3A_298 = arith.constant 0 : i32
    %dma_wait3A_299 = arith.constant 0 : i32
    %dma_wait3A_300 = tpu.memref_slice %arg7[%dma_wait3A_296, %dma_wait3A_297, %dma_wait3A_298, %dma_wait3A_299] : memref<2x40x4x128xf32, #tpu.memory_space<vmem>> -> memref<1x40x4x128xf32, #tpu.memory_space<vmem>>
    %dma_wait3A_301 = tpu.memref_squeeze %dma_wait3A_300 : memref<1x40x4x128xf32, #tpu.memory_space<vmem>> -> memref<40x4x128xf32, #tpu.memory_space<vmem>>
    %dma_wait3A_302 = arith.constant 80 : i32
    %dma_wait3A_303 = arith.constant 0 : i32
    %dma_wait3A_304 = tpu.memref_slice %arg4[%dma_wait3A_302, %select_n3A, %mul3A_32, %dma_wait3A_303] : memref<200x16x8x128xf32, #tpu.memory_space<hbm>> -> memref<40x1x4x128xf32, #tpu.memory_space<hbm>>
    %dma_wait3A_305 = tpu.memref_squeeze %dma_wait3A_304 : memref<40x1x4x128xf32, #tpu.memory_space<hbm>> -> memref<40x4x128xf32, #tpu.memory_space<hbm>>
    %dma_wait3A_306 = arith.constant 80 : i32
    %dma_wait3A_307 = arith.constant 0 : i32
    %dma_wait3A_308 = tpu.memref_slice %arg4[%dma_wait3A_306, %select_n3A, %mul3A_32, %dma_wait3A_307] : memref<200x16x8x128xf32, #tpu.memory_space<hbm>> -> memref<40x1x4x128xf32, #tpu.memory_space<hbm>>
    %dma_wait3A_309 = tpu.memref_squeeze %dma_wait3A_308 : memref<40x1x4x128xf32, #tpu.memory_space<hbm>> -> memref<40x4x128xf32, #tpu.memory_space<hbm>>
    %dma_wait3A_310 = arith.constant 0 : i32
    %dma_wait3A_311 = arith.constant 0 : i32
    %dma_wait3A_312 = arith.constant 0 : i32
    %dma_wait3A_313 = tpu.memref_slice %arg7[%dma_wait3A_296, %dma_wait3A_310, %dma_wait3A_311, %dma_wait3A_312] : memref<2x40x4x128xf32, #tpu.memory_space<vmem>> -> memref<1x40x4x128xf32, #tpu.memory_space<vmem>>
    %dma_wait3A_314 = tpu.memref_squeeze %dma_wait3A_313 : memref<1x40x4x128xf32, #tpu.memory_space<vmem>> -> memref<40x4x128xf32, #tpu.memory_space<vmem>>
    tpu.wait_dma2 semaphore(%arg10 : memref<!tpu.dma_semaphore, #tpu.memory_space<semaphore_mem>>) src(%dma_wait3A_314 : memref<40x4x128xf32, #tpu.memory_space<vmem>>) dst(%dma_wait3A_309 : memref<40x4x128xf32, #tpu.memory_space<hbm>>)
    %parallel_loop3A_315 = arith.constant 0 : i32
    %parallel_loop3A_316 = arith.constant 320 : i32
    %parallel_loop3A_317 = arith.constant 1 : i32
    scf.for %parallel_loop3A_375 = %parallel_loop3A_315 to %parallel_loop3A_316 step %parallel_loop3A_317  : i32 {
      %parallel_loop3A_376 = arith.constant 8 : i32
      %parallel_loop3A_377 = arith.divsi %parallel_loop3A_375, %parallel_loop3A_376 : i32
      %parallel_loop3A_378 = arith.constant 0 : i32
      %parallel_loop3A_379 = arith.cmpi sgt, %parallel_loop3A_375, %parallel_loop3A_378 : i32
      %parallel_loop3A_380 = arith.extui %parallel_loop3A_379 : i1 to i32
      %parallel_loop3A_381 = arith.constant 0 : i32
      %parallel_loop3A_382 = arith.cmpi slt, %parallel_loop3A_375, %parallel_loop3A_381 : i32
      %parallel_loop3A_383 = arith.extui %parallel_loop3A_382 : i1 to i32
      %parallel_loop3A_384 = arith.subi %parallel_loop3A_380, %parallel_loop3A_383 : i32
      %parallel_loop3A_385 = arith.constant 0 : i32
      %parallel_loop3A_386 = arith.cmpi sgt, %parallel_loop3A_376, %parallel_loop3A_385 : i32
      %parallel_loop3A_387 = arith.extui %parallel_loop3A_386 : i1 to i32
      %parallel_loop3A_388 = arith.constant 0 : i32
      %parallel_loop3A_389 = arith.cmpi slt, %parallel_loop3A_376, %parallel_loop3A_388 : i32
      %parallel_loop3A_390 = arith.extui %parallel_loop3A_389 : i1 to i32
      %parallel_loop3A_391 = arith.subi %parallel_loop3A_387, %parallel_loop3A_390 : i32
      %parallel_loop3A_392 = arith.cmpi ne, %parallel_loop3A_384, %parallel_loop3A_391 : i32
      %parallel_loop3A_393 = arith.remsi %parallel_loop3A_375, %parallel_loop3A_376 : i32
      %parallel_loop3A_394 = arith.constant 0 : i32
      %parallel_loop3A_395 = arith.cmpi ne, %parallel_loop3A_393, %parallel_loop3A_394 : i32
      %parallel_loop3A_396 = arith.andi %parallel_loop3A_392, %parallel_loop3A_395 : i1
      %parallel_loop3A_397 = arith.constant 1 : i32
      %parallel_loop3A_398 = arith.subi %parallel_loop3A_377, %parallel_loop3A_397 : i32
      %parallel_loop3A_399 = arith.select %parallel_loop3A_396, %parallel_loop3A_398, %parallel_loop3A_377 : i32
      %parallel_loop3A_400 = arith.constant 8 : i32
      %parallel_loop3A_401 = arith.constant 0 : i32
      %parallel_loop3A_402 = arith.cmpi eq, %parallel_loop3A_400, %parallel_loop3A_401 : i32
      %parallel_loop3A_403 = arith.constant 1 : i32
      %parallel_loop3A_404 = arith.select %parallel_loop3A_402, %parallel_loop3A_403, %parallel_loop3A_400 : i32
      %parallel_loop3A_405 = arith.remsi %parallel_loop3A_375, %parallel_loop3A_404 : i32
      %parallel_loop3A_406 = arith.constant 0 : i32
      %parallel_loop3A_407 = arith.cmpi ne, %parallel_loop3A_405, %parallel_loop3A_406 : i32
      %parallel_loop3A_408 = arith.constant 0 : i32
      %parallel_loop3A_409 = arith.cmpi slt, %parallel_loop3A_405, %parallel_loop3A_408 : i32
      %parallel_loop3A_410 = arith.constant 0 : i32
      %parallel_loop3A_411 = arith.cmpi slt, %parallel_loop3A_404, %parallel_loop3A_410 : i32
      %parallel_loop3A_412 = arith.xori %parallel_loop3A_409, %parallel_loop3A_411 : i1
      %parallel_loop3A_413 = arith.andi %parallel_loop3A_412, %parallel_loop3A_407 : i1
      %parallel_loop3A_414 = arith.addi %parallel_loop3A_405, %parallel_loop3A_404 : i32
      %parallel_loop3A_415 = arith.select %parallel_loop3A_413, %parallel_loop3A_414, %parallel_loop3A_405 : i32
      %parallel_loop3A_416 = arith.constant 16 : i32
      %parallel_loop3A_417 = arith.muli %parallel_loop3A_415, %parallel_loop3A_416 : i32
      %parallel_loop3A_418 = arith.constant 0 : i32
      %parallel_loop3A_419 = arith.index_cast %parallel_loop3A_418 : i32 to index
      %parallel_loop3A_420 = arith.index_cast %parallel_loop3A_399 : i32 to index
      %parallel_loop3A_421 = arith.index_cast %parallel_loop3A_417 : i32 to index
      %parallel_loop3A_422 = tpu.vector_load %arg6[%parallel_loop3A_419, %parallel_loop3A_420, %parallel_loop3A_421] {strides = array<i32>} : memref<2x40x128xi32, #tpu.memory_space<vmem>>, vector<16xi32>,
      %parallel_loop3A_423 = arith.constant 4 : i32
      %parallel_loop3A_424 = vector.broadcast %parallel_loop3A_423 : i32 to vector<16xi32>
      %parallel_loop3A_425 = arith.muli %parallel_loop3A_422, %parallel_loop3A_424 : vector<16xi32>
      %parallel_loop3A_426 = arith.constant 0 : i32
      %parallel_loop3A_427 = vector.broadcast %parallel_loop3A_426 : i32 to vector<16xi32>
      %parallel_loop3A_428 = arith.addi %parallel_loop3A_425, %parallel_loop3A_427 : vector<16xi32>
      %parallel_loop3A_429 = tpu.vector_load_idx %arg5[%parallel_loop3A_428] : memref<6456xf32, #tpu.memory_space<vmem>>[vector<16xi32>], vector<16xf32>,
      %parallel_loop3A_430 = arith.constant 16 : i32
      %parallel_loop3A_431 = arith.muli %parallel_loop3A_415, %parallel_loop3A_430 : i32
      %parallel_loop3A_432 = arith.constant 0 : i32
      %parallel_loop3A_433 = arith.constant 0 : i32
      %parallel_loop3A_434 = arith.index_cast %parallel_loop3A_432 : i32 to index
      %parallel_loop3A_435 = arith.index_cast %parallel_loop3A_399 : i32 to index
      %parallel_loop3A_436 = arith.index_cast %parallel_loop3A_433 : i32 to index
      %parallel_loop3A_437 = arith.index_cast %parallel_loop3A_431 : i32 to index
      %parallel_loop3A_438 = tpu.vector_load %arg7[%parallel_loop3A_434, %parallel_loop3A_435, %parallel_loop3A_436, %parallel_loop3A_437] {strides = array<i32>} : memref<2x40x4x128xf32, #tpu.memory_space<vmem>>, vector<16xf32>,
      tpu.vector_store %arg7[%parallel_loop3A_434, %parallel_loop3A_435, %parallel_loop3A_436, %parallel_loop3A_437], %parallel_loop3A_429 {strides = array<i32>} : memref<2x40x4x128xf32, #tpu.memory_space<vmem>>, vector<16xf32>,
      %parallel_loop3A_439 = arith.constant 1 : i32
      %parallel_loop3A_440 = vector.broadcast %parallel_loop3A_439 : i32 to vector<16xi32>
      %parallel_loop3A_441 = arith.addi %parallel_loop3A_425, %parallel_loop3A_440 : vector<16xi32>
      %parallel_loop3A_442 = tpu.vector_load_idx %arg5[%parallel_loop3A_441] : memref<6456xf32, #tpu.memory_space<vmem>>[vector<16xi32>], vector<16xf32>,
      %parallel_loop3A_443 = arith.constant 16 : i32
      %parallel_loop3A_444 = arith.muli %parallel_loop3A_415, %parallel_loop3A_443 : i32
      %parallel_loop3A_445 = arith.constant 0 : i32
      %parallel_loop3A_446 = arith.constant 1 : i32
      %parallel_loop3A_447 = arith.index_cast %parallel_loop3A_445 : i32 to index
      %parallel_loop3A_448 = arith.index_cast %parallel_loop3A_399 : i32 to index
      %parallel_loop3A_449 = arith.index_cast %parallel_loop3A_446 : i32 to index
      %parallel_loop3A_450 = arith.index_cast %parallel_loop3A_444 : i32 to index
      %parallel_loop3A_451 = tpu.vector_load %arg7[%parallel_loop3A_447, %parallel_loop3A_448, %parallel_loop3A_449, %parallel_loop3A_450] {strides = array<i32>} : memref<2x40x4x128xf32, #tpu.memory_space<vmem>>, vector<16xf32>,
      tpu.vector_store %arg7[%parallel_loop3A_447, %parallel_loop3A_448, %parallel_loop3A_449, %parallel_loop3A_450], %parallel_loop3A_442 {strides = array<i32>} : memref<2x40x4x128xf32, #tpu.memory_space<vmem>>, vector<16xf32>,
      %parallel_loop3A_452 = arith.constant 2 : i32
      %parallel_loop3A_453 = vector.broadcast %parallel_loop3A_452 : i32 to vector<16xi32>
      %parallel_loop3A_454 = arith.addi %parallel_loop3A_425, %parallel_loop3A_453 : vector<16xi32>
      %parallel_loop3A_455 = tpu.vector_load_idx %arg5[%parallel_loop3A_454] : memref<6456xf32, #tpu.memory_space<vmem>>[vector<16xi32>], vector<16xf32>,
      %parallel_loop3A_456 = arith.constant 16 : i32
      %parallel_loop3A_457 = arith.muli %parallel_loop3A_415, %parallel_loop3A_456 : i32
      %parallel_loop3A_458 = arith.constant 0 : i32
      %parallel_loop3A_459 = arith.constant 2 : i32
      %parallel_loop3A_460 = arith.index_cast %parallel_loop3A_458 : i32 to index
      %parallel_loop3A_461 = arith.index_cast %parallel_loop3A_399 : i32 to index
      %parallel_loop3A_462 = arith.index_cast %parallel_loop3A_459 : i32 to index
      %parallel_loop3A_463 = arith.index_cast %parallel_loop3A_457 : i32 to index
      %parallel_loop3A_464 = tpu.vector_load %arg7[%parallel_loop3A_460, %parallel_loop3A_461, %parallel_loop3A_462, %parallel_loop3A_463] {strides = array<i32>} : memref<2x40x4x128xf32, #tpu.memory_space<vmem>>, vector<16xf32>,
      tpu.vector_store %arg7[%parallel_loop3A_460, %parallel_loop3A_461, %parallel_loop3A_462, %parallel_loop3A_463], %parallel_loop3A_455 {strides = array<i32>} : memref<2x40x4x128xf32, #tpu.memory_space<vmem>>, vector<16xf32>,
      %parallel_loop3A_465 = arith.constant 3 : i32
      %parallel_loop3A_466 = vector.broadcast %parallel_loop3A_465 : i32 to vector<16xi32>
      %parallel_loop3A_467 = arith.addi %parallel_loop3A_425, %parallel_loop3A_466 : vector<16xi32>
      %parallel_loop3A_468 = tpu.vector_load_idx %arg5[%parallel_loop3A_467] : memref<6456xf32, #tpu.memory_space<vmem>>[vector<16xi32>], vector<16xf32>,
      %parallel_loop3A_469 = arith.constant 16 : i32
      %parallel_loop3A_470 = arith.muli %parallel_loop3A_415, %parallel_loop3A_469 : i32
      %parallel_loop3A_471 = arith.constant 0 : i32
      %parallel_loop3A_472 = arith.constant 3 : i32
      %parallel_loop3A_473 = arith.index_cast %parallel_loop3A_471 : i32 to index
      %parallel_loop3A_474 = arith.index_cast %parallel_loop3A_399 : i32 to index
      %parallel_loop3A_475 = arith.index_cast %parallel_loop3A_472 : i32 to index
      %parallel_loop3A_476 = arith.index_cast %parallel_loop3A_470 : i32 to index
      %parallel_loop3A_477 = tpu.vector_load %arg7[%parallel_loop3A_473, %parallel_loop3A_474, %parallel_loop3A_475, %parallel_loop3A_476] {strides = array<i32>} : memref<2x40x4x128xf32, #tpu.memory_space<vmem>>, vector<16xf32>,
      tpu.vector_store %arg7[%parallel_loop3A_473, %parallel_loop3A_474, %parallel_loop3A_475, %parallel_loop3A_476], %parallel_loop3A_468 {strides = array<i32>} : memref<2x40x4x128xf32, #tpu.memory_space<vmem>>, vector<16xf32>,
    } {sc.loop_unroll_factor = 2 : i64, sc.parallel_access}
    %dma_start3A_318 = arith.constant 0 : i32
    %dma_start3A_319 = arith.constant 0 : i32
    %dma_start3A_320 = arith.constant 0 : i32
    %dma_start3A_321 = arith.constant 0 : i32
    %dma_start3A_322 = tpu.memref_slice %arg7[%dma_start3A_318, %dma_start3A_319, %dma_start3A_320, %dma_start3A_321] : memref<2x40x4x128xf32, #tpu.memory_space<vmem>> -> memref<1x40x4x128xf32, #tpu.memory_space<vmem>>
    %dma_start3A_323 = tpu.memref_squeeze %dma_start3A_322 : memref<1x40x4x128xf32, #tpu.memory_space<vmem>> -> memref<40x4x128xf32, #tpu.memory_space<vmem>>
    %dma_start3A_324 = arith.constant 160 : i32
    %dma_start3A_325 = arith.constant 0 : i32
    %dma_start3A_326 = tpu.memref_slice %arg4[%dma_start3A_324, %select_n3A, %mul3A_32, %dma_start3A_325] : memref<200x16x8x128xf32, #tpu.memory_space<hbm>> -> memref<40x1x4x128xf32, #tpu.memory_space<hbm>>
    %dma_start3A_327 = tpu.memref_squeeze %dma_start3A_326 : memref<40x1x4x128xf32, #tpu.memory_space<hbm>> -> memref<40x4x128xf32, #tpu.memory_space<hbm>>
    %dma_start3A_328 = arith.constant 160 : i32
    %dma_start3A_329 = arith.constant 0 : i32
    %dma_start3A_330 = tpu.memref_slice %arg4[%dma_start3A_328, %select_n3A, %mul3A_32, %dma_start3A_329] : memref<200x16x8x128xf32, #tpu.memory_space<hbm>> -> memref<40x1x4x128xf32, #tpu.memory_space<hbm>>
    %dma_start3A_331 = tpu.memref_squeeze %dma_start3A_330 : memref<40x1x4x128xf32, #tpu.memory_space<hbm>> -> memref<40x4x128xf32, #tpu.memory_space<hbm>>
    %dma_start3A_332 = arith.constant 0 : i32
    %dma_start3A_333 = arith.constant 0 : i32
    %dma_start3A_334 = arith.constant 0 : i32
    %dma_start3A_335 = tpu.memref_slice %arg7[%dma_start3A_318, %dma_start3A_332, %dma_start3A_333, %dma_start3A_334] : memref<2x40x4x128xf32, #tpu.memory_space<vmem>> -> memref<1x40x4x128xf32, #tpu.memory_space<vmem>>
    %dma_start3A_336 = tpu.memref_squeeze %dma_start3A_335 : memref<1x40x4x128xf32, #tpu.memory_space<vmem>> -> memref<40x4x128xf32, #tpu.memory_space<vmem>>
    tpu.enqueue_dma source(%dma_start3A_336 : memref<40x4x128xf32, #tpu.memory_space<vmem>>) target(%dma_start3A_331 : memref<40x4x128xf32, #tpu.memory_space<hbm>>) target_semaphore(%arg10 : memref<!tpu.dma_semaphore, #tpu.memory_space<semaphore_mem>>)
    %dma_wait3A_337 = arith.constant 1 : i32
    %dma_wait3A_338 = arith.constant 0 : i32
    %dma_wait3A_339 = arith.constant 0 : i32
    %dma_wait3A_340 = arith.constant 0 : i32
    %dma_wait3A_341 = tpu.memref_slice %arg7[%dma_wait3A_337, %dma_wait3A_338, %dma_wait3A_339, %dma_wait3A_340] : memref<2x40x4x128xf32, #tpu.memory_space<vmem>> -> memref<1x40x4x128xf32, #tpu.memory_space<vmem>>
    %dma_wait3A_342 = tpu.memref_squeeze %dma_wait3A_341 : memref<1x40x4x128xf32, #tpu.memory_space<vmem>> -> memref<40x4x128xf32, #tpu.memory_space<vmem>>
    %dma_wait3A_343 = arith.constant 120 : i32
    %dma_wait3A_344 = arith.constant 0 : i32
    %dma_wait3A_345 = tpu.memref_slice %arg4[%dma_wait3A_343, %select_n3A, %mul3A_32, %dma_wait3A_344] : memref<200x16x8x128xf32, #tpu.memory_space<hbm>> -> memref<40x1x4x128xf32, #tpu.memory_space<hbm>>
    %dma_wait3A_346 = tpu.memref_squeeze %dma_wait3A_345 : memref<40x1x4x128xf32, #tpu.memory_space<hbm>> -> memref<40x4x128xf32, #tpu.memory_space<hbm>>
    %dma_wait3A_347 = arith.constant 120 : i32
    %dma_wait3A_348 = arith.constant 0 : i32
    %dma_wait3A_349 = tpu.memref_slice %arg4[%dma_wait3A_347, %select_n3A, %mul3A_32, %dma_wait3A_348] : memref<200x16x8x128xf32, #tpu.memory_space<hbm>> -> memref<40x1x4x128xf32, #tpu.memory_space<hbm>>
    %dma_wait3A_350 = tpu.memref_squeeze %dma_wait3A_349 : memref<40x1x4x128xf32, #tpu.memory_space<hbm>> -> memref<40x4x128xf32, #tpu.memory_space<hbm>>
    %dma_wait3A_351 = arith.constant 0 : i32
    %dma_wait3A_352 = arith.constant 0 : i32
    %dma_wait3A_353 = arith.constant 0 : i32
    %dma_wait3A_354 = tpu.memref_slice %arg7[%dma_wait3A_337, %dma_wait3A_351, %dma_wait3A_352, %dma_wait3A_353] : memref<2x40x4x128xf32, #tpu.memory_space<vmem>> -> memref<1x40x4x128xf32, #tpu.memory_space<vmem>>
    %dma_wait3A_355 = tpu.memref_squeeze %dma_wait3A_354 : memref<1x40x4x128xf32, #tpu.memory_space<vmem>> -> memref<40x4x128xf32, #tpu.memory_space<vmem>>
    tpu.wait_dma2 semaphore(%arg11 : memref<!tpu.dma_semaphore, #tpu.memory_space<semaphore_mem>>) src(%dma_wait3A_355 : memref<40x4x128xf32, #tpu.memory_space<vmem>>) dst(%dma_wait3A_350 : memref<40x4x128xf32, #tpu.memory_space<hbm>>)
    %dma_wait3A_356 = arith.constant 0 : i32
    %dma_wait3A_357 = arith.constant 0 : i32
    %dma_wait3A_358 = arith.constant 0 : i32
    %dma_wait3A_359 = arith.constant 0 : i32
    %dma_wait3A_360 = tpu.memref_slice %arg7[%dma_wait3A_356, %dma_wait3A_357, %dma_wait3A_358, %dma_wait3A_359] : memref<2x40x4x128xf32, #tpu.memory_space<vmem>> -> memref<1x40x4x128xf32, #tpu.memory_space<vmem>>
    %dma_wait3A_361 = tpu.memref_squeeze %dma_wait3A_360 : memref<1x40x4x128xf32, #tpu.memory_space<vmem>> -> memref<40x4x128xf32, #tpu.memory_space<vmem>>
    %dma_wait3A_362 = arith.constant 160 : i32
    %dma_wait3A_363 = arith.constant 0 : i32
    %dma_wait3A_364 = tpu.memref_slice %arg4[%dma_wait3A_362, %select_n3A, %mul3A_32, %dma_wait3A_363] : memref<200x16x8x128xf32, #tpu.memory_space<hbm>> -> memref<40x1x4x128xf32, #tpu.memory_space<hbm>>
    %dma_wait3A_365 = tpu.memref_squeeze %dma_wait3A_364 : memref<40x1x4x128xf32, #tpu.memory_space<hbm>> -> memref<40x4x128xf32, #tpu.memory_space<hbm>>
    %dma_wait3A_366 = arith.constant 160 : i32
    %dma_wait3A_367 = arith.constant 0 : i32
    %dma_wait3A_368 = tpu.memref_slice %arg4[%dma_wait3A_366, %select_n3A, %mul3A_32, %dma_wait3A_367] : memref<200x16x8x128xf32, #tpu.memory_space<hbm>> -> memref<40x1x4x128xf32, #tpu.memory_space<hbm>>
    %dma_wait3A_369 = tpu.memref_squeeze %dma_wait3A_368 : memref<40x1x4x128xf32, #tpu.memory_space<hbm>> -> memref<40x4x128xf32, #tpu.memory_space<hbm>>
    %dma_wait3A_370 = arith.constant 0 : i32
    %dma_wait3A_371 = arith.constant 0 : i32
    %dma_wait3A_372 = arith.constant 0 : i32
    %dma_wait3A_373 = tpu.memref_slice %arg7[%dma_wait3A_356, %dma_wait3A_370, %dma_wait3A_371, %dma_wait3A_372] : memref<2x40x4x128xf32, #tpu.memory_space<vmem>> -> memref<1x40x4x128xf32, #tpu.memory_space<vmem>>
    %dma_wait3A_374 = tpu.memref_squeeze %dma_wait3A_373 : memref<1x40x4x128xf32, #tpu.memory_space<vmem>> -> memref<40x4x128xf32, #tpu.memory_space<vmem>>
    tpu.wait_dma2 semaphore(%arg10 : memref<!tpu.dma_semaphore, #tpu.memory_space<semaphore_mem>>) src(%dma_wait3A_374 : memref<40x4x128xf32, #tpu.memory_space<vmem>>) dst(%dma_wait3A_369 : memref<40x4x128xf32, #tpu.memory_space<hbm>>)
    return
  }
}

</mosaic_0001>

<sc_bundles>
// kernel: kernel.3.cloned.1.call-start
scs
__scs_entry_jumppad:
0x0: {  	(pc) =	sbr.rel $0x88, $3  }
0x1: {  	(tag) =	ssettag $0x0;
	lr =	simm.s32 $0x1  }
0x2: {  	[smem:$0x3F9F] =	sst lr;
	_ =	strace $0xD0000000  }
0x3: {  	_ = 	snop  }
0x4: {  	_ = 	snop  }
0x5: {  	_ = 	snop  }
0x6: {  	_ = 	snop  }
0x7: {  	_ = 	snop  }
__scs_overlays_trampoline_lowered:
0x8: {  	[smem:$0x3FAE] =	sst s0  }
0x9: {  	[smem:$0x3FAF] =	sst s1  }
0xa: {  	[smem:$0x3FB0] =	sst s2  }
0xb: {  	[smem:$0x3FB1] =	sst s3  }
0xc: {  	[smem:$0x3FB2] =	sst s4  }
0xd: {  	[smem:$0x3FB3] =	sst s5  }
0xe: {  	[smem:$0x3FB4] =	sst s6  }
0xf: {  	[smem:$0x3FB5] =	sst s7  }
0x10: {  	[smem:$0x3FB6] =	sst s8  }
0x11: {  	[smem:$0x3FB7] =	sst s9;
	s0 =	simm.s32 @!p0 $0x0  }
0x12: {  	s1 =	sld [smem:$0x3F9D];
	s0 =	simm.s32 @p0 $0x1  }
0x13: {  	[smem:$0x3FB8] =	sst s0;
	s0 =	simm.s32 @!p1 $0x0  }
0x14: {  	s2 =	sld [smem:$0x3F9C];
	s0 =	simm.s32 @p1 $0x1  }
0x15: {  	[smem:$0x3FB9] =	sst s0;
	s0 =	simm.s32 @!p2 $0x0  }
0x16: {  	s3 =	sld [smem:$0x3FDB];
	s0 =	simm.s32 @p2 $0x1  }
0x17: {  	s4 =	simm.s32 $0x1BF5;
	[smem:$0x3FBB] =	sst s0  }
0x18: {  	s0 =	sld [smem:$0x3F9E];
	_ =	swait.ge [sflag:s4], $0x0  }
0x19: {  	s7 =	sld [smem:$0x3F9F]  }
0x1a: {  	s8 =	sadd.s32 $0xFFFFE003, lr  }
0x1b: {  	s9 =	sadd.s32 $0xFFFFFEF7, lr;
	s5 =	simm.s32 $0xFFFFFFFF;
	p2 =	slt.u32 s8, $0xFFFFF086  }
0x1c: {  	p1 =	slt.u32 s9, $0xF7A;
	s5 =	simm.s32 @!p2 $0x0  }
0x1d: {  	s5 =	simm.s32 @p1 $0x1;
	p0 =	seq.s32 s7, s2  }
0x1e: {  	s7 =	smul.u32 @!p0 $0xF7A, s2;
	p2 =	seq.s32 @!p0 s5, $0x0  }
0x1f: {  	s9 =	smul.u32 $0xF7A, s1;
	s8 =	simm.s32 @!p0 $0x1BF5;
	p2 =	por !p2, p0  }
0x20: {  	[sflag:s8] =	ssyncset.s32 @!p0 $0xFFFFF086;
	s6 =	sadd.s32 @!p0 s3, s7;
	s7 =	simm.s32 @!p0 $0x108  }
0x21: {  	s3 =	sadd.s32 s3, s9;
	s6 =	sadd.s32 @!p0 $0x88, s6;
	s7 =	simm.s32 @p2 $0x1082  }
0x22: {  	[simem:s7], [sflag:s8] =	dma.local @!p0 [hbm:s6], $0xF7A  }
0x23: {  	s9 =	sor.u32 $0xD0000000, s2;
	s6 =	simm.s32 $0x108;
	_ =	swait.ge @!p0 [sflag:s8], $0x0  }
0x24: {  	s3 =	sadd.s32 $0x88, s3;
	s6 =	simm.s32 @!p1 $0x1082;
	[sflag:s4] =	ssyncset.s32 $0xFFFFF086  }
0x25: {  	[simem:s6], [sflag:s4] =	dma.local [hbm:s3], $0xF7A  }
0x26: {  	[smem:$0x3F9F] =	sst s1;
	(tag) =	ssettag s2;
	_ =	strace s9  }
0x27: {  	s1 =	sld [smem:$0x3FAF]  }
0x28: {  	s2 =	sld [smem:$0x3FB0]  }
0x29: {  	s4 =	sld [smem:$0x3FB2]  }
0x2a: {  	p0 =	seq.s32 s5, $0x0;
	s5 =	sld [smem:$0x3FB3]  }
0x2b: {  	s6 =	sld [smem:$0x3FB4]  }
0x2c: {  	s7 =	sld [smem:$0x3FB5]  }
0x2d: {  	s3 =	simm.s32 $0x108;
	s8 =	sld [smem:$0x3FB6]  }
0x2e: {  	s3 =	simm.s32 @!p0 $0x1082;
	s9 =	sld [smem:$0x3FB7]  }
0x2f: {  	lr =	sadd.s32 s0, s3;
	s0 =	sld [smem:$0x3FAE]  }
0x30: {  	s3 =	sld [smem:$0x3FB1]  }
0x31: {  	[smem:$0x3FBA] =	sst s10  }
0x32: {  	s10 =	sld [smem:$0x3FB8];
	_ =	sdelay $0x3  }
0x33: {  	p0 =	seq.s32 s10, $0x1;
	s10 =	sld [smem:$0x3FBA];
	_ =	sdelay $0x3  }
0x34: {  	[smem:$0x3FBA] =	sst s10  }
0x35: {  	s10 =	sld [smem:$0x3FB9];
	_ =	sdelay $0x3  }
0x36: {  	p1 =	seq.s32 s10, $0x1;
	s10 =	sld [smem:$0x3FBA];
	_ =	sdelay $0x3  }
0x37: {  	[smem:$0x3FBA] =	sst s10  }
0x38: {  	s10 =	sld [smem:$0x3FBB]  }
0x39: {  	_ = 	snop;
	(pc) =	sbr.ind lr, $3  }
0x3a: {  	_ = 	snop  }
0x3b: {  	_ = 	snop  }
0x3c: {  	p2 =	seq.s32 s10, $0x1;
	s10 =	sld [smem:$0x3FBA]  }
0x3d: {  	_ =	shalt  }
0x3e: {  	_ =	shalt  }
0x3f: {  	_ =	shalt  }
0x40: {  	_ =	shalt  }
0x41: {  	_ =	shalt  }
0x42: {  	_ =	shalt  }
0x43: {  	_ =	shalt  }
0x44: {  	_ =	shalt  }
0x45: {  	_ =	shalt  }
0x46: {  	_ =	shalt  }
0x47: {  	_ =	shalt  }
0x48: {  	_ =	shalt  }
0x49: {  	_ =	shalt  }
0x4a: {  	_ =	shalt  }
0x4b: {  	_ =	shalt  }
0x4c: {  	_ =	shalt  }
0x4d: {  	_ =	shalt  }
0x4e: {  	_ =	shalt  }
0x4f: {  	_ =	shalt  }
0x50: {  	_ =	shalt  }
0x51: {  	_ =	shalt  }
0x52: {  	_ =	shalt  }
0x53: {  	_ =	shalt  }
0x54: {  	_ =	shalt  }
0x55: {  	_ =	shalt  }
0x56: {  	_ =	shalt  }
0x57: {  	_ =	shalt  }
0x58: {  	_ =	shalt  }
0x59: {  	_ =	shalt  }
0x5a: {  	_ =	shalt  }
0x5b: {  	_ =	shalt  }
0x5c: {  	_ =	shalt  }
0x5d: {  	_ =	shalt  }
0x5e: {  	_ =	shalt  }
0x5f: {  	_ =	shalt  }
0x60: {  	_ =	shalt  }
0x61: {  	_ =	shalt  }
0x62: {  	_ =	shalt  }
0x63: {  	_ =	shalt  }
0x64: {  	_ =	shalt  }
0x65: {  	_ =	shalt  }
0x66: {  	_ =	shalt  }
0x67: {  	_ =	shalt  }
0x68: {  	_ =	shalt  }
0x69: {  	_ =	shalt  }
0x6a: {  	_ =	shalt  }
0x6b: {  	_ =	shalt  }
0x6c: {  	_ =	shalt  }
0x6d: {  	_ =	shalt  }
0x6e: {  	_ =	shalt  }
0x6f: {  	_ =	shalt  }
0x70: {  	_ =	shalt  }
0x71: {  	_ =	shalt  }
0x72: {  	_ =	shalt  }
0x73: {  	_ =	shalt  }
0x74: {  	_ =	shalt  }
0x75: {  	_ =	shalt  }
0x76: {  	_ =	shalt  }
0x77: {  	_ =	shalt  }
0x78: {  	_ =	shalt  }
0x79: {  	_ =	shalt  }
0x7a: {  	_ =	shalt  }
0x7b: {  	_ =	shalt  }
0x7c: {  	_ =	shalt  }
0x7d: {  	_ =	shalt  }
0x7e: {  	_ =	shalt  }
0x7f: {  	_ =	shalt  }
0x80: {  	_ =	shalt  }
0x81: {  	_ =	shalt  }
0x82: {  	_ =	shalt  }
0x83: {  	_ =	shalt  }
0x84: {  	_ =	shalt  }
0x85: {  	_ =	shalt  }
0x86: {  	_ =	shalt  }
0x87: {  	_ =	shalt  }
.Lfunc_end0:
.L_simem_size_0:
called_computation_lowered:
.L_overlay_start_0:
0x88: {  	s2 =	sld [smem:$0x3FD9]  }
0x89: {  	s3 =	sld [smem:$0x3FFE];
	_ =	sdelay $0x1  }
0x8a: {  	s1 =	srdreg.scid  }
0x8b: {  	s0 =	sand.u32 $0x1, s1  }
0x8c: {  	s17 =	sshll.u32 s0, $0xA;
	s2 =	sadd.s32 s3, s2  }
0x8d: {  	s2 =	sadd.s32 s2, s17  }
0x8e: {  	[smem:$0x3FC6] =	sst s2  }
0x8f: {  	_ = 	snop  }
0x90: {  	s2 =	sld [smem:$0x3FC9]  }
0x91: {  	s18 =	sld [smem:$0x3FD0];
	(tm) =	ssettm $0x1  }
0x92: {  	s4 =	sld [smem:$0x3FFB];
	_ =	sdelay $0x3  }
0x93: {  	_ =	strace s4  }
0x94: {  	s4 =	sld [smem:$0x3FFC];
	_ =	sdelay $0x3  }
0x95: {  	_ =	strace s4  }
0x96: {  	s4 =	sld [smem:$0x3FFD];
	_ =	sdelay $0x3  }
0x97: {  	_ =	strace s4  }
0x98: {  	_ =	strace $0x8FFFFFFF  }
0x99: {  	s19 =	sld [smem:$0x3FDB];
	_ =	sdelay $0x1  }
0x9a: {  	s5 =	simm.s32 $_scs_section_size  }
0x9b: {  	s6 =	simm.s32 $_size__tile_overlayer_lowered;
	s7 =	simm.s32 $_tile_overlayer_lowered  }
0x9c: {  	s22 =	simm.s32 $0x1BFF;
	s21 =	sshll.u32 s7, $0x1;
	s4 =	sadd.s32 s5, s19  }
0x9d: {  	s8 =	simm.s32 $0x0;
	s20 =	sshll.u32 s6, $0x1;
	s6 =	sadd.s32 s21, s4  }
0x9e: {  	[timem:s8], [sflag:s22] =	dma.local [hbm:s6], s20  }
0x9f: {  	_ =	swait.ge [sflag:s22], s20  }
0xa0: {  	s5 =	ssub.s32 $0x0, s20;
	[sflag:s22] =	ssyncset.done $0x0  }
0xa1: {  	[sflag:s22] =	ssyncadd.s32 s5;
	_ =	sdelay $0x1  }
0xa2: {  	s23 =	simm.s32 $0x1B8B  }
0xa3: {  	_ =	swait.ge [sflag:s23], $0x1  }
0xa4: {  	[sflag:s23] =	ssyncset.done $0x0  }
0xa5: {  	s25 =	simm.s32 $0x1B8E;
	s24 =	sld [smem:$0x3FFE];
	[sflag:s23] =	ssyncadd.s32 $0xFFFFFFFF  }
0xa6: {  	s26 =	simm.s32 $execute0_lowered;
	[smem:$0x3FD2] =	sst s25  }
0xa7: {  	s6 =	sshll.u32 s26, $0x1;
	_ =	strace $0x80000046;
	[dreg:$0x1] =	wrdreg $0xFFFFFFFF  }
0xa8: {  	s28 =	simm.s32 $_size_execute0_lowered;
	s4 =	sadd.s32 s4, s6;
	[dreg:$0x0] =	wrdreg $0x0  }
0xa9: {  	s6 =	sshll.u32 s28, $0x1;
	[dreg:$0x2] =	wrdreg s4  }
0xaa: {  	[dreg:$0x3] =	wrdreg s6  }
0xab: {  	[dreg:$0x4] =	wrdreg $0xC0  }
0xac: {  	_ =	task [dreg:s8], $0x5FFFF  }
0xad: {  	[dreg:$0x1] =	wrdreg $0xFFFFFFFF  }
0xae: {  	[dreg:$0x0] =	wrdreg $0x60  }
0xaf: {  	[dreg:$0x2] =	wrdreg s2  }
0xb0: {  	[dreg:$0x3] =	wrdreg s24  }
0xb1: {  	[dreg:$0x4] =	wrdreg s18  }
0xb2: {  	[dreg:$0x5] =	wrdreg $0x9  }
0xb3: {  	_ =	task.clear_ibuf [dreg:s8], $0x6FFFF;
	_ =	strace $0x90000046  }
0xb4: {  	s29 =	simm.s32 $0x9;
	_ =	strace $0x80000048  }
0xb5: {  	_ =	swait.ge [sflag:s29], $0x1  }
0xb6: {  	[sflag:s29] =	ssyncadd.s32 $0xFFFFFFFF  }
0xb7: {  	_ =	strace $0x90000048  }
0xb8: {  	_ =	sfence  }
0xb9: {  	s30 =	sld [smem:$0x0];
	_ =	sdelay $0x2  }
0xba: {  	s31 =	sshll.u32 s1, $0xD;
	s1 =	sshrl.u32 s1, $0x2  }
0xbb: {  	s3 =	sand.u32 $0x4000, s31;
	s1 =	sadd.s32 s1, s30  }
0xbc: {  	s0 =	sor.u32 s3, s0;
	s1 =	sshll.u32 s1, $0x11  }
0xbd: {  	s0 =	sor.u32 s1, s0  }
0xbe: {  	s0 =	sadd.s32 $0x8F2B, s0  }
0xbf: {  	[sflag:s0] =	ssyncadd.remote.s32 $0x1  }
0xc0: {  	_ =	sfence.sel $0xFFFF  }
0xc1: {  	[dreg:$0x0] =	wrdreg $0xFFFFFFFF;
	(pc) =	sbr.abs _section_cstart, $3  }
0xc2: {  	[dreg:$0x1] =	wrdreg $0xFFFFFFFF  }
0xc3: {  	_ =	task.clear_ibuf [dreg:s8], $0x2FFFF;
	_ =	strace $0x9FFFFFFF  }
0xc4: {  	(tm) =	ssettm $0x7FFFFFFF  }
0xc5: {  	_ =	shalt  }
tec
execute0_lowered:
.L_overlay_start_1:
0x0: {  	(tag) =	ssettag $0x1  }
0x1: {  	s0 =	srdreg.scid;
	s1 =	rddreg [dreg:$0x0]  }
0x2: {  	s8 =	stileid.u32;
	s3 =	rddreg [dreg:$0x1]  }
0x3: {  	s6 =	rddreg [dreg:$0x2];
	s4 =	simm.s32 $0x1;
	s16 =	simm.s32 $0x400  }
0x4: {  	s17 =	simm.s32 $0x8000;
	s0 =	sand.u32 $0x1, s0;
	s2 =	sshll.u32 s8, $0x1  }
0x5: {  	s28 =	simm.s32 $0x4;
	s3 =	sadd.s32 $0x400, s3;
	s5 =	sor.u32 s0, s2  }
0x6: {  	p1 =	seq.s32 s0, $0x1;
	s2 =	simm.s32 $0x0;
	s7 =	ssub.s32 $0x2, s0  }
0x7: {  	s0 =	sshll.u32 s0, $0x9;
	p0 =	seq.s32 s5, $0x0;
	[smem:$0x7FF] =	sst s2  }
0x8: {  	s18 =	sshrl.u32 s7, $0x1;
	s5 =	sshll.u32 s5, $0x7;
	p0 =	por !p0, !p1  }
0x9: {  	_ =	strace $0x80000047;
	[dreg:$0x4] =	wrdreg s3;
	s5 =	sadd.s32 s1, s5  }
0xa: {  	s3 =	ssub.s32 s7, s18;
	s21 =	sadd.s32 $0x5000, s5;
	[dreg:$0x5] =	wrdreg s5  }
0xb: {  	p0 =	por !p0, !p0;
	s23 =	sadd.s32 $0xA000, s5;
	[dreg:$0x6] =	wrdreg s21  }
0xc: {  	s25 =	sadd.s32 $0xF000, s5;
	s4 =	simm.s32 @!p0 $0x0;
	[dreg:$0x8] =	wrdreg s23  }
0xd: {  	s5 =	sadd.s32 $0x14000, s5;
	[dreg:$0xa] =	wrdreg s25;
	s4 =	ssub.s32 s8, s4  }
0xe: {  	s31 =	smax.u32 s3, $0x1;
	[dreg:$0xc] =	wrdreg s5;
	s19 =	sshll.u32 s4, $0xA  }
0xf: {  	s29 =	simm.s32 $0x0;
	[dreg:$0xf] =	wrdreg s31;
	s0 =	sor.u32 s0, s19  }
0x10: {  	s21 =	simm.s32 $0x200;
	s4 =	simm.s32 $0x1;
	s20 =	sshrl.u32 s0, $0x3  }
0x11: {  	s7 =	sadd.s32 $0xA0000, s0;
	s24 =	sadd.s32 $0x140000, s0;
	s26 =	sadd.s32 $0x1E0000, s0  }
0x12: {  	s0 =	sadd.s32 $0x280000, s0;
	s1 =	sadd.s32 s6, s20;
	s22 =	sshrl.u32 s7, $0x3  }
0x13: {  	s0 =	sshrl.u32 s0, $0x3;
	[dreg:$0x7] =	wrdreg s1;
	s1 =	sadd.s32 s6, s22  }
0x14: {  	s0 =	sadd.s32 s6, s0;
	[dreg:$0x9] =	wrdreg s1;
	s1 =	sshrl.u32 s24, $0x3  }
0x15: {  	s30 =	sshrl.u32 s26, $0x3;
	[dreg:$0xe] =	wrdreg s0;
	s1 =	sadd.s32 s6, s1  }
0x16: {  	s26 =	simm.s32 $0x3;
	[dreg:$0xb] =	wrdreg s1;
	s1 =	sadd.s32 s6, s30  }
0x17: {  	s22 =	simm.s32 $0x4000;
	s24 =	simm.s32 $0x2;
	[dreg:$0xd] =	wrdreg s1  }
.LBB2_1:
0x18: {  	s0 =	rddreg [dreg:$0x5];
	s1 =	simm.s32 $0x1980  }
0x19: {  	[tilespmem:s1], [sflag:$0x1] =	stream.strided.gather [hbm4b:s0+s16], $0x1400, s17, s16, $0x38;
	[tilespmem:$0xE180] =	vst v63  }
0x1a: {  	s23 =	rddreg [dreg:$0x4];
	s25 =	simm.s32 $0x5  }
0x1b: {  	[tilespmem:s2], [sflag:$0x5] =	stream.linear.gather [hbm4b:s23+s2], $0x1980, $0x38;
	[tilespmem:$0xE180] =	vst v63  }
0x1c: {  	_ =	swait.ge [sflag:s25], $0x1980  }
0x1d: {  	s3 =	simm.s32 $0x2D80;
	[sflag:s25] =	ssyncset.done $0x0  }
0x1e: {  	s5 =	sand.u32 $0x7E00, s2;
	s1 =	rddreg [dreg:$0x6];
	[sflag:s25] =	ssyncadd.s32 $0xFFFFE680  }
0x1f: {  	[tilespmem:s3], [sflag:$0x2] =	stream.strided.gather [hbm4b:s1+s16], $0x1400, s17, s16, $0x38;
	[tilespmem:$0xE180] =	vst v63  }
0x20: {  	s6 =	sand.u32 $0x60, s2;
	s10 =	sshrl.u32 s5, $0x2;
	_ =	swait.ge [sflag:s4], $0x1400  }
0x21: {  	s7 =	sor.u32 $0x10, s6;
	s3 =	sadd.s32 $0x1980, s10;
	[sflag:s4] =	ssyncset.done $0x0  }
0x22: {  	s1 =	sor.u32 s7, s3;
	[sflag:s4] =	ssyncadd.s32 $0xFFFFEC00  }
0x23: {  	v0 =	vld [tilespmem:s1+$0x0];
	_ =	sdelay $0x2  }
0x24: {  	s11 =	simm.s32 $0x80  }
0x25: {  	s12 =	simm.s32 $0x20;
	s8 =	sand.u32 $0x7E00, s11;
	s3 =	sor.u32 s6, s3  }
0x26: {  	s9 =	sshrl.u32 s8, $0x2;
	s1 =	sand.u32 $0x60, s12;
	v1 =	vshll.u32 v0, $0x2;
	v0 =	vld [tilespmem:s3+$0x0]  }
0x27: {  	s9 =	sadd.s32 $0x1980, s9;
	s11 =	sor.u32 $0x10, s1  }
0x28: {  	s13 =	sor.u32 s11, s9  }
0x29: {  	v2 =	vld [tilespmem:s13+$0x0];
	_ =	sdelay $0x1  }
0x2a: {  	v3 =	vld.idx.msk [tilespmem:v1+s2+$0x0], $0xffff;
	v5 =	vshll.u32 v0, $0x2  }
0x2b: {  	v4 =	vor.u32 $0x1, v1  }
0x2c: {  	s15 =	simm.s32 $0x100;
	s18 =	simm.s32 $0x40  }
0x2d: {  	s0 =	sadd.s32 $0x4180, s5;
	s14 =	sor.u32 s1, s9;
	s9 =	sand.u32 $0x7E00, s15;
	v2 =	vshll.u32 v2, $0x2  }
0x2e: {  	s10 =	sor.u32 s7, s0;
	s19 =	sshrl.u32 s9, $0x2;
	s3 =	sand.u32 $0x60, s18;
	v0 =	vld [tilespmem:s14+$0x0]  }
0x2f: {  	s7 =	sadd.s32 $0x1980, s19;
	s13 =	sor.u32 $0x10, s3;
	[tilespmem:s10+$0x0] =	vst v3;
	v7 =	vld.idx.msk [tilespmem:v5+s2+$0x0], $0xffff  }
0x30: {  	s12 =	sor.u32 s13, s7;
	v3 =	vld.idx.msk [tilespmem:v4+s2+$0x0], $0xffff  }
0x31: {  	v6 =	vor.u32 $0x2, v1;
	v4 =	vld [tilespmem:s12+$0x0]  }
0x32: {  	s7 =	sor.u32 s3, s7;
	v8 =	vor.u32 $0x1, v5;
	v10 =	vld.idx.msk [tilespmem:v2+s2+$0x0], $0xffff  }
0x33: {  	v11 =	vld [tilespmem:s7+$0x0];
	v12 =	vor.u32 $0x1, v2  }
0x34: {  	v9 =	vshll.u32 v0, $0x2  }
0x35: {  	s20 =	simm.s32 $0x180;
	s0 =	sor.u32 s6, s0;
	s14 =	sadd.s32 $0x4180, s8;
	[tilespmem:s10+$0x80] =	vst v3  }
0x36: {  	s23 =	simm.s32 $0x60;
	s8 =	sor.u32 s11, s14;
	s12 =	sand.u32 $0x7E00, s20;
	[tilespmem:s0+$0x0] =	vst v7;
	v0 =	vshll.u32 v4, $0x2;
	v3 =	vld.idx.msk [tilespmem:v6+s2+$0x0], $0xffff  }
0x37: {  	s7 =	sand.u32 $0x60, s23;
	s25 =	sshrl.u32 s12, $0x2;
	[tilespmem:s8+$0x0] =	vst v10;
	v6 =	vld.idx.msk [tilespmem:v8+s2+$0x0], $0xffff  }
0x38: {  	s31 =	sor.u32 $0x10, s7;
	s6 =	sadd.s32 $0x1980, s25;
	v7 =	vshll.u32 v11, $0x2;
	v8 =	vld.idx.msk [tilespmem:v12+s2+$0x0], $0xffff  }
0x39: {  	s5 =	sor.u32 s31, s6;
	v11 =	vor.u32 $0x2, v2;
	v4 =	vld.idx.msk [tilespmem:v9+s2+$0x0], $0xffff  }
0x3a: {  	v1 =	vor.u32 $0x3, v1;
	v10 =	vld [tilespmem:s5+$0x0]  }
0x3b: {  	s6 =	sor.u32 s7, s6;
	v12 =	vor.u32 $0x1, v9;
	v13 =	vld.idx.msk [tilespmem:v0+s2+$0x0], $0xffff  }
0x3c: {  	v15 =	vld [tilespmem:s6+$0x0];
	v16 =	vor.u32 $0x1, v0;
	[tilespmem:s10+$0x100] =	vst v3  }
0x3d: {  	s1 =	sor.u32 s1, s14;
	v17 =	vld.idx.msk [tilespmem:v7+s2+$0x0], $0xffff;
	v3 =	vor.u32 $0x2, v5;
	[tilespmem:s8+$0x80] =	vst v8  }
0x3e: {  	s15 =	sadd.s32 $0x4180, s9;
	s14 =	simm.s32 $0x200;
	[tilespmem:s1+$0x0] =	vst v4;
	v4 =	vld.idx.msk [tilespmem:v11+s2+$0x0], $0xffff  }
0x3f: {  	s20 =	sand.u32 $0x7E00, s14;
	s25 =	simm.s32 $0x80;
	s6 =	sor.u32 s13, s15;
	v2 =	vor.u32 $0x3, v2;
	v14 =	vld.idx.msk [tilespmem:v1+s2+$0x0], $0xffff  }
0x40: {  	s18 =	sshrl.u32 s20, $0x2;
	s9 =	sand.u32 $0x60, s25;
	v1 =	vshll.u32 v10, $0x2;
	v10 =	vld.idx.msk [tilespmem:v12+s2+$0x0], $0xffff;
	[tilespmem:s6+$0x0] =	vst v13  }
0x41: {  	s13 =	sadd.s32 $0x1980, s18;
	s30 =	sor.u32 $0x10, s9;
	[tilespmem:s0+$0x80] =	vst v6;
	v16 =	vld.idx.msk [tilespmem:v16+s2+$0x0], $0xffff  }
0x42: {  	s19 =	sor.u32 s30, s13;
	v13 =	vld.idx.msk [tilespmem:v3+s2+$0x0], $0xffff;
	v3 =	vshll.u32 v15, $0x2  }
0x43: {  	s3 =	sor.u32 s3, s15;
	v18 =	vor.u32 $0x2, v0;
	v15 =	vld [tilespmem:s19+$0x0];
	[tilespmem:s8+$0x100] =	vst v4  }
0x44: {  	v8 =	vor.u32 $0x2, v9;
	[tilespmem:s3+$0x0] =	vst v17;
	v11 =	vld.idx.msk [tilespmem:v2+s2+$0x0], $0xffff;
	v2 =	vor.u32 $0x3, v9;
	v9 =	vor.u32 $0x1, v7  }
0x45: {  	s23 =	sor.u32 s9, s13;
	[tilespmem:s10+$0x180] =	vst v14;
	v14 =	vld.idx.msk [tilespmem:v1+s2+$0x0], $0xffff  }
0x46: {  	v17 =	vld [tilespmem:s23+$0x0];
	[tilespmem:s6+$0x80] =	vst v16;
	v16 =	vor.u32 $0x1, v1  }
0x47: {  	v6 =	vor.u32 $0x3, v5;
	v5 =	vor.u32 $0x2, v7;
	[tilespmem:s1+$0x80] =	vst v10;
	v4 =	vor.u32 $0x3, v7;
	v12 =	vld.idx.msk [tilespmem:v3+s2+$0x0], $0xffff  }
0x48: {  	s11 =	simm.s32 $0x280;
	s13 =	sadd.s32 $0x4180, s12;
	v10 =	vor.u32 $0x1, v3;
	s10 =	simm.s32 $0x8;
	v7 =	vor.u32 $0x2, v3;
	v3 =	vor.u32 $0x3, v3;
	[tilespmem:s0+$0x100] =	vst v13;
	v13 =	vld.idx.msk [tilespmem:v18+s2+$0x0], $0xffff  }
.LBB2_2:
0x49: {  	s12 =	sand.u32 $0x7E00, s11;
	v18 =	vshll.u32 v15, $0x2;
	s25 =	sadd.s32 $0x20, s25;
	s14 =	sor.u32 s31, s13;
	v19 =	vld.idx.msk [tilespmem:v9+s2+$0x0], $0xffff;
	v9 =	vmov v10  }
0x4a: {  	s10 =	sadd.s32 $0x2, s10;
	v20 =	vor.u32 $0x3, v0;
	v0 =	vmovc v1;
	s15 =	sand.u32 $0x60, s25;
	s31 =	sshrl.u32 s12, $0x2;
	[tilespmem:s14+$0x0] =	vst v14;
	v21 =	vld.idx.msk [tilespmem:v8+s2+$0x0], $0xffff;
	v1 =	vmovc v18;
	v8 =	vmov v5;
	v5 =	vmov v7  }
0x4b: {  	p0 =	slt.u32 s10, $0x13E;
	s31 =	sadd.s32 $0x1980, s31;
	s5 =	sor.u32 $0x10, s15;
	v22 =	vshll.u32 v17, $0x2;
	v23 =	vld.idx.msk [tilespmem:v16+s2+$0x0], $0xffff;
	[tilespmem:s8+$0x180] =	vst v11  }
0x4c: {  	s13 =	sor.u32 s7, s13;
	s18 =	sor.u32 s15, s31;
	s8 =	sor.u32 s5, s31;
	v10 =	vor.u32 $0x1, v22;
	v7 =	vor.u32 $0x2, v22;
	v11 =	vor.u32 $0x3, v22;
	v24 =	vld.idx.msk [tilespmem:v6+s2+$0x0], $0xffff;
	v6 =	vmovc v2;
	v2 =	vmovc v4  }
0x4d: {  	s7 =	smov.u32 s9;
	v25 =	vor.u32 $0x2, v0;
	v4 =	vmov v3;
	v15 =	vld [tilespmem:s8+$0x0];
	[tilespmem:s13+$0x0] =	vst v12;
	v3 =	vmov v11;
	s8 =	smov.u32 s6;
	s6 =	smov.u32 s14  }
.Ltmp0:
0x4e: {  	s9 =	smov.u32 s15;
	s31 =	smov.u32 s30;
	v14 =	vld.idx.msk [tilespmem:v18+s2+$0x0], $0xffff;
	[tilespmem:s8+$0x100] =	vst v13;
	(pc) =	sbr.rel @p0 .LBB2_2-.Ltmp0, $4  }
0x4f: {  	s30 =	smov.u32 s5;
	s5 =	smov.u32 s0;
	s0 =	smov.u32 s1;
	[tilespmem:s3+$0x80] =	vst v19;
	v11 =	vld.idx.msk [tilespmem:v20+s2+$0x0], $0xffff  }
0x50: {  	v16 =	vor.u32 $0x1, v1;
	s1 =	smov.u32 s3;
	s3 =	smov.u32 s13;
	v17 =	vld [tilespmem:s18+$0x0];
	[tilespmem:s0+$0x100] =	vst v21  }
0x51: {  	v12 =	vld.idx.msk [tilespmem:v22+s2+$0x0], $0xffff;
	[tilespmem:s6+$0x80] =	vst v23  }
0x52: {  	s11 =	sadd.s32 $0x80, s11;
	s13 =	sadd.s32 $0x4180, s20;
	s20 =	smov.u32 s12;
	v13 =	vld.idx.msk [tilespmem:v25+s2+$0x0], $0xffff;
	[tilespmem:s5+$0x180] =	vst v24  }
0x53: {  	_ = 	snop  }
0x54: {  	v15 =	vshll.u32 v15, $0x2  }
0x55: {  	v17 =	vshll.u32 v17, $0x2;
	_ =	sdelay $0x2  }
0x56: {  	s5 =	sor.u32 s31, s13;
	v9 =	vld.idx.msk [tilespmem:v9+s2+$0x0], $0xffff  }
0x57: {  	[tilespmem:s5+$0x0] =	vst v14;
	v18 =	vld.idx.msk [tilespmem:v15+s2+$0x0], $0xffff  }
0x58: {  	s7 =	sor.u32 s7, s13;
	v14 =	vor.u32 $0x1, v15;
	[tilespmem:s8+$0x180] =	vst v11;
	v11 =	vld.idx.msk [tilespmem:v17+s2+$0x0], $0xffff  }
0x59: {  	v8 =	vld.idx.msk [tilespmem:v8+s2+$0x0], $0xffff;
	v19 =	vor.u32 $0x1, v17;
	[tilespmem:s7+$0x0] =	vst v12  }
0x5a: {  	s25 =	sadd.s32 $0x4180, s20;
	v0 =	vor.u32 $0x3, v0;
	v6 =	vld.idx.msk [tilespmem:v6+s2+$0x0], $0xffff;
	[tilespmem:s6+$0x100] =	vst v13  }
0x5b: {  	s10 =	sor.u32 s30, s25;
	v12 =	vld.idx.msk [tilespmem:v16+s2+$0x0], $0xffff;
	[tilespmem:s3+$0x80] =	vst v9  }
0x5c: {  	s8 =	sor.u32 s9, s25;
	v13 =	vor.u32 $0x2, v1;
	v10 =	vld.idx.msk [tilespmem:v10+s2+$0x0], $0xffff;
	[tilespmem:s10+$0x0] =	vst v18  }
0x5d: {  	v9 =	vld.idx.msk [tilespmem:v14+s2+$0x0], $0xffff;
	[tilespmem:s8+$0x0] =	vst v11  }
0x5e: {  	[tilespmem:s1+$0x100] =	vst v8;
	v11 =	vor.u32 $0x2, v15;
	v8 =	vld.idx.msk [tilespmem:v19+s2+$0x0], $0xffff  }
0x5f: {  	v0 =	vld.idx.msk [tilespmem:v0+s2+$0x0], $0xffff;
	[tilespmem:s0+$0x180] =	vst v6;
	v14 =	vor.u32 $0x2, v17  }
0x60: {  	v5 =	vld.idx.msk [tilespmem:v5+s2+$0x0], $0xffff;
	[tilespmem:s5+$0x80] =	vst v12  }
0x61: {  	v12 =	vld.idx.msk [tilespmem:v13+s2+$0x0], $0xffff;
	[tilespmem:s7+$0x80] =	vst v10  }
0x62: {  	v1 =	vor.u32 $0x3, v1;
	v7 =	vld.idx.msk [tilespmem:v7+s2+$0x0], $0xffff;
	[tilespmem:s10+$0x80] =	vst v9  }
0x63: {  	v6 =	vld.idx.msk [tilespmem:v11+s2+$0x0], $0xffff;
	[tilespmem:s8+$0x80] =	vst v8  }
0x64: {  	[tilespmem:s6+$0x180] =	vst v0;
	v9 =	vor.u32 $0x3, v15;
	v0 =	vld.idx.msk [tilespmem:v14+s2+$0x0], $0xffff  }
0x65: {  	v2 =	vld.idx.msk [tilespmem:v2+s2+$0x0], $0xffff;
	[tilespmem:s3+$0x100] =	vst v5;
	v8 =	vor.u32 $0x3, v17  }
0x66: {  	v4 =	vld.idx.msk [tilespmem:v4+s2+$0x0], $0xffff;
	[tilespmem:s5+$0x100] =	vst v12  }
0x67: {  	v1 =	vld.idx.msk [tilespmem:v1+s2+$0x0], $0xffff;
	[tilespmem:s7+$0x100] =	vst v7  }
0x68: {  	v3 =	vld.idx.msk [tilespmem:v3+s2+$0x0], $0xffff;
	[tilespmem:s10+$0x100] =	vst v6  }
0x69: {  	v5 =	vld.idx.msk [tilespmem:v9+s2+$0x0], $0xffff;
	[tilespmem:s8+$0x100] =	vst v0  }
0x6a: {  	[tilespmem:s1+$0x180] =	vst v2;
	v0 =	vld.idx.msk [tilespmem:v8+s2+$0x0], $0xffff  }
0x6b: {  	[tilespmem:s3+$0x180] =	vst v4  }
0x6c: {  	[tilespmem:s5+$0x180] =	vst v1  }
0x6d: {  	[tilespmem:s7+$0x180] =	vst v3  }
0x6e: {  	[tilespmem:s10+$0x180] =	vst v5  }
0x6f: {  	[tilespmem:s8+$0x180] =	vst v0  }
0x70: {  	s11 =	simm.s32 $0x4180;
	s0 =	rddreg [dreg:$0x7]  }
0x71: {  	[hbm4b:s0+s21] =	stream.strided.scatter [tilespmem:s11], [sflag:$0x3], $0x5000, s22, s21, $0x38;
	[tilespmem:$0xE180] =	vst v63  }
0x72: {  	s13 =	simm.s32 $0x1980;
	s14 =	simm.s32 $0x0;
	s12 =	rddreg [dreg:$0x8]  }
0x73: {  	[tilespmem:s13], [sflag:$0x1] =	stream.strided.gather [hbm4b:s12+s16], $0x1400, s17, s16, $0x38;
	[tilespmem:$0xE180] =	vst v63  }
0x74: {  	s12 =	sand.u32 $0x7E00, s14  }
0x75: {  	_ =	swait.ge [sflag:s24], $0x1400;
	s15 =	sshrl.u32 s12, $0x2  }
0x76: {  	s10 =	sand.u32 $0x60, s14;
	[sflag:s24] =	ssyncset.done $0x0;
	s18 =	sadd.s32 $0x2D80, s15  }
0x77: {  	s9 =	sor.u32 $0x10, s10;
	[sflag:s24] =	ssyncadd.s32 $0xFFFFEC00;
	s1 =	sor.u32 s10, s18  }
0x78: {  	s0 =	sor.u32 s9, s18;
	v0 =	vld [tilespmem:s1+$0x0]  }
0x79: {  	v1 =	vld [tilespmem:s0+$0x0];
	_ =	sdelay $0x1  }
0x7a: {  	s19 =	simm.s32 $0x80  }
0x7b: {  	s23 =	simm.s32 $0x20;
	s30 =	sand.u32 $0x7E00, s19  }
0x7c: {  	s20 =	sshrl.u32 s30, $0x2;
	s0 =	sand.u32 $0x60, s23;
	v3 =	vshll.u32 v0, $0x2  }
0x7d: {  	s1 =	sadd.s32 $0x2D80, s20;
	s31 =	sor.u32 $0x10, s0;
	v4 =	vshll.u32 v1, $0x2  }
0x7e: {  	s25 =	sor.u32 s0, s1;
	s1 =	sor.u32 s31, s1  }
0x7f: {  	v2 =	vld [tilespmem:s1+$0x0]  }
0x80: {  	v0 =	vld [tilespmem:s25+$0x0]  }
0x81: {  	v1 =	vld.idx.msk [tilespmem:v3+s2+$0x0], $0xffff  }
0x82: {  	v6 =	vor.u32 $0x1, v3;
	v5 =	vld.idx.msk [tilespmem:v4+s2+$0x0], $0xffff  }
0x83: {  	v7 =	vor.u32 $0x1, v4  }
0x84: {  	s6 =	simm.s32 $0x100;
	s5 =	sadd.s32 $0x9180, s12  }
0x85: {  	s7 =	sor.u32 s10, s5;
	s1 =	sand.u32 $0x7E00, s6;
	v0 =	vshll.u32 v0, $0x2  }
0x86: {  	s11 =	simm.s32 $0x40;
	s3 =	sor.u32 s9, s5;
	s8 =	sshrl.u32 s1, $0x2;
	[tilespmem:s7+$0x0] =	vst v1  }
0x87: {  	s20 =	sand.u32 $0x60, s11;
	s5 =	sadd.s32 $0x2D80, s8;
	v1 =	vshll.u32 v2, $0x2;
	[tilespmem:s3+$0x0] =	vst v5;
	v2 =	vld.idx.msk [tilespmem:v6+s2+$0x0], $0xffff  }
0x88: {  	s13 =	sor.u32 s20, s5;
	v5 =	vld.idx.msk [tilespmem:v7+s2+$0x0], $0xffff  }
0x89: {  	v6 =	vld [tilespmem:s13+$0x0]  }
0x8a: {  	v8 =	vor.u32 $0x2, v3;
	s3 =	sor.u32 $0x10, s20;
	v7 =	vld.idx.msk [tilespmem:v0+s2+$0x0], $0xffff  }
0x8b: {  	s14 =	sadd.s32 $0x9200, s12;
	v9 =	vor.u32 $0x2, v4;
	s5 =	sor.u32 s3, s5  }
0x8c: {  	s15 =	sor.u32 s10, s14;
	v12 =	vor.u32 $0x1, v0;
	v11 =	vld [tilespmem:s5+$0x0]  }
0x8d: {  	s19 =	sor.u32 s9, s14;
	s18 =	sadd.s32 $0x9180, s30;
	s23 =	simm.s32 $0x180;
	v10 =	vld.idx.msk [tilespmem:v1+s2+$0x0], $0xffff;
	[tilespmem:s15+$0x0] =	vst v2  }
0x8e: {  	s6 =	sand.u32 $0x7E00, s23;
	s25 =	sor.u32 s0, s18;
	v13 =	vor.u32 $0x1, v1;
	[tilespmem:s19+$0x0] =	vst v5  }
0x8f: {  	s13 =	sshrl.u32 s6, $0x2;
	v2 =	vshll.u32 v6, $0x2;
	[tilespmem:s25+$0x0] =	vst v7;
	s25 =	simm.s32 $0x60;
	v6 =	vld.idx.msk [tilespmem:v8+s2+$0x0], $0xffff  }
0x90: {  	s14 =	sadd.s32 $0x2D80, s13;
	v5 =	vld.idx.msk [tilespmem:v9+s2+$0x0], $0xffff;
	s7 =	sand.u32 $0x60, s25  }
0x91: {  	s11 =	sor.u32 s31, s18;
	v8 =	vor.u32 $0x3, v3;
	v3 =	vshll.u32 v11, $0x2;
	v12 =	vld.idx.msk [tilespmem:v12+s2+$0x0], $0xffff;
	s8 =	sor.u32 s7, s14  }
0x92: {  	v15 =	vld [tilespmem:s8+$0x0];
	[tilespmem:s11+$0x0] =	vst v10  }
0x93: {  	v4 =	vor.u32 $0x3, v4;
	s8 =	sor.u32 $0x10, s7;
	v14 =	vld.idx.msk [tilespmem:v13+s2+$0x0], $0xffff  }
0x94: {  	v63 =	vor.u32 $0x2, v0;
	s11 =	sadd.s32 $0x9280, s12;
	s5 =	sor.u32 s8, s14;
	v7 =	vld.idx.msk [tilespmem:v2+s2+$0x0], $0xffff  }
0x95: {  	s15 =	sor.u32 s10, s11;
	v11 =	vld [tilespmem:s5+$0x0]  }
0x96: {  	s14 =	sadd.s32 $0x9200, s30;
	v10 =	vor.u32 $0x2, v1;
	s18 =	sor.u32 s9, s11;
	[tilespmem:s15+$0x0] =	vst v6;
	v9 =	vld.idx.msk [tilespmem:v3+s2+$0x0], $0xffff  }
0x97: {  	s12 =	sadd.s32 $0x9300, s12;
	s11 =	simm.s32 $0x6;
	s19 =	sor.u32 s0, s14;
	[tilespmem:s18+$0x0] =	vst v5;
	v6 =	vld.idx.msk [tilespmem:v8+s2+$0x0], $0xffff  }
0x98: {  	s23 =	sor.u32 s31, s14;
	s13 =	sor.u32 s10, s12;
	v13 =	vor.u32 $0x1, v2;
	s18 =	sadd.s32 $0x9180, s1;
	[tilespmem:s19+$0x0] =	vst v12;
	v8 =	vld.idx.msk [tilespmem:v4+s2+$0x0], $0xffff  }
0x99: {  	s10 =	simm.s32 $0x200;
	v12 =	vor.u32 $0x1, v3;
	s15 =	sor.u32 s20, s18;
	s14 =	sor.u32 s3, s18;
	v5 =	vld.idx.msk [tilespmem:v63+s2+$0x0], $0xffff;
	v4 =	vshll.u32 v15, $0x2;
	[tilespmem:s23+$0x0] =	vst v14  }
.LBB2_4:
0x9a: {  	s11 =	sadd.s32 $0x2, s11;
	[tilespmem:s15+$0x0] =	vst v7;
	s5 =	sor.u32 s9, s12;
	s15 =	smov.u32 s1  }
0x9b: {  	v14 =	vld.idx.msk [tilespmem:v10+s2+$0x0], $0xffff;
	s1 =	smov.u32 s6;
	s6 =	sand.u32 $0x7E00, s10;
	s18 =	smov.u32 s0  }
0x9c: {  	s25 =	sadd.s32 $0x20, s25;
	v15 =	vor.u32 $0x3, v0;
	v0 =	vmov v2;
	v2 =	vmov v4;
	s0 =	sshrl.u32 s6, $0x2;
	p0 =	slt.u32 s11, $0x13E;
	[tilespmem:s13+$0x0] =	vst v6  }
0x9d: {  	s9 =	sand.u32 $0x60, s25;
	s12 =	sadd.s32 $0x2D80, s0;
	v11 =	vshll.u32 v11, $0x2;
	v16 =	vld.idx.msk [tilespmem:v13+s2+$0x0], $0xffff;
	[tilespmem:s14+$0x0] =	vst v9;
	s0 =	smov.u32 s20  }
0x9e: {  	s19 =	sadd.s32 $0x9280, s30;
	v18 =	vor.u32 $0x3, v1;
	v1 =	vmov v3;
	s14 =	sor.u32 $0x10, s9;
	s13 =	sor.u32 s9, s12;
	v17 =	vld.idx.msk [tilespmem:v12+s2+$0x0], $0xffff;
	v3 =	vmov v11  }
0x9f: {  	s23 =	sor.u32 s18, s19;
	s20 =	smov.u32 s7;
	s12 =	sor.u32 s14, s12;
	v7 =	vld.idx.msk [tilespmem:v4+s2+$0x0], $0xffff;
	[tilespmem:s5+$0x0] =	vst v8  }
0xa0: {  	v19 =	vor.u32 $0x2, v0;
	s7 =	smov.u32 s9;
	s9 =	smov.u32 s31;
	s5 =	sor.u32 s31, s19;
	v4 =	vld [tilespmem:s13+$0x0];
	[tilespmem:s23+$0x0] =	vst v5  }
.Ltmp1:
0xa1: {  	v10 =	vor.u32 $0x2, v1;
	s31 =	smov.u32 s3;
	s3 =	smov.u32 s8;
	v6 =	vld.idx.msk [tilespmem:v15+s2+$0x0], $0xffff;
	[tilespmem:s5+$0x0] =	vst v14;
	(pc) =	sbr.rel @p0 .LBB2_4-.Ltmp1, $4  }
0xa2: {  	s8 =	smov.u32 s14;
	s5 =	sadd.s32 $0x9200, s15;
	v9 =	vld.idx.msk [tilespmem:v11+s2+$0x0], $0xffff  }
0xa3: {  	v13 =	vor.u32 $0x1, v2;
	s13 =	sor.u32 s0, s5;
	v11 =	vld [tilespmem:s12+$0x0];
	s12 =	sadd.s32 $0x9300, s30;
	s30 =	smov.u32 s15  }
0xa4: {  	s14 =	sadd.s32 $0x9180, s1;
	v12 =	vor.u32 $0x1, v3;
	s5 =	sor.u32 s31, s5;
	[tilespmem:s13+$0x0] =	vst v16;
	s13 =	sor.u32 s18, s12;
	v8 =	vld.idx.msk [tilespmem:v18+s2+$0x0], $0xffff  }
0xa5: {  	s10 =	sadd.s32 $0x80, s10;
	s15 =	sor.u32 s20, s14;
	s14 =	sor.u32 s3, s14;
	v4 =	vshll.u32 v4, $0x2;
	v5 =	vld.idx.msk [tilespmem:v19+s2+$0x0], $0xffff;
	[tilespmem:s5+$0x0] =	vst v17  }
0xa6: {  	_ =	sdelay $0x1  }
0xa7: {  	v11 =	vshll.u32 v11, $0x2;
	_ =	sdelay $0x3  }
0xa8: {  	v14 =	vld.idx.msk [tilespmem:v4+s2+$0x0], $0xffff  }
0xa9: {  	v16 =	vor.u32 $0x1, v4;
	v15 =	vld.idx.msk [tilespmem:v11+s2+$0x0], $0xffff  }
0xaa: {  	v17 =	vor.u32 $0x1, v11  }
0xab: {  	[tilespmem:s15+$0x0] =	vst v7;
	s5 =	sadd.s32 $0x9180, s6  }
0xac: {  	v7 =	vld.idx.msk [tilespmem:v13+s2+$0x0], $0xffff;
	[tilespmem:s14+$0x0] =	vst v9;
	s10 =	sor.u32 s7, s5  }
0xad: {  	s5 =	sor.u32 s8, s5;
	v9 =	vld.idx.msk [tilespmem:v12+s2+$0x0], $0xffff;
	v12 =	vor.u32 $0x2, v2;
	[tilespmem:s10+$0x0] =	vst v14  }
0xae: {  	v13 =	vor.u32 $0x2, v3;
	v14 =	vld.idx.msk [tilespmem:v16+s2+$0x0], $0xffff;
	[tilespmem:s5+$0x0] =	vst v15  }
0xaf: {  	s12 =	sor.u32 s9, s12;
	[tilespmem:s13+$0x0] =	vst v6;
	s14 =	sadd.s32 $0x9200, s1;
	v15 =	vor.u32 $0x2, v4;
	v6 =	vld.idx.msk [tilespmem:v17+s2+$0x0], $0xffff  }
0xb0: {  	s15 =	sor.u32 s20, s14;
	[tilespmem:s12+$0x0] =	vst v8;
	v8 =	vor.u32 $0x2, v11  }
0xb1: {  	v10 =	vld.idx.msk [tilespmem:v10+s2+$0x0], $0xffff;
	v0 =	vor.u32 $0x3, v0;
	s19 =	sadd.s32 $0x9200, s6;
	s18 =	sor.u32 s3, s14;
	[tilespmem:s15+$0x0] =	vst v7  }
0xb2: {  	v1 =	vor.u32 $0x3, v1;
	s23 =	sor.u32 s7, s19;
	v7 =	vld.idx.msk [tilespmem:v12+s2+$0x0], $0xffff;
	[tilespmem:s18+$0x0] =	vst v9  }
0xb3: {  	s25 =	sadd.s32 $0x9280, s30;
	s11 =	sor.u32 s8, s19;
	v2 =	vor.u32 $0x3, v2;
	v9 =	vld.idx.msk [tilespmem:v13+s2+$0x0], $0xffff;
	[tilespmem:s23+$0x0] =	vst v14  }
0xb4: {  	v3 =	vor.u32 $0x3, v3;
	s12 =	sor.u32 s0, s25;
	v12 =	vld.idx.msk [tilespmem:v15+s2+$0x0], $0xffff;
	[tilespmem:s11+$0x0] =	vst v6  }
0xb5: {  	s13 =	sor.u32 s31, s25;
	s14 =	sadd.s32 $0x9280, s1;
	[tilespmem:s12+$0x0] =	vst v5;
	v4 =	vor.u32 $0x3, v4;
	v5 =	vld.idx.msk [tilespmem:v8+s2+$0x0], $0xffff  }
0xb6: {  	v0 =	vld.idx.msk [tilespmem:v0+s2+$0x0], $0xffff;
	[tilespmem:s13+$0x0] =	vst v10;
	s15 =	sor.u32 s20, s14;
	v6 =	vor.u32 $0x3, v11  }
0xb7: {  	s19 =	sadd.s32 $0x9280, s6;
	v1 =	vld.idx.msk [tilespmem:v1+s2+$0x0], $0xffff;
	s18 =	sor.u32 s3, s14;
	[tilespmem:s15+$0x0] =	vst v7  }
0xb8: {  	s23 =	sor.u32 s7, s19;
	v2 =	vld.idx.msk [tilespmem:v2+s2+$0x0], $0xffff;
	[tilespmem:s18+$0x0] =	vst v9  }
0xb9: {  	s9 =	sor.u32 s8, s19;
	s25 =	sadd.s32 $0x9300, s30;
	v3 =	vld.idx.msk [tilespmem:v3+s2+$0x0], $0xffff;
	[tilespmem:s23+$0x0] =	vst v12  }
0xba: {  	s11 =	sor.u32 s0, s25;
	v4 =	vld.idx.msk [tilespmem:v4+s2+$0x0], $0xffff;
	[tilespmem:s9+$0x0] =	vst v5  }
0xbb: {  	s12 =	sor.u32 s31, s25;
	s13 =	sadd.s32 $0x9300, s1;
	[tilespmem:s11+$0x0] =	vst v0;
	v0 =	vld.idx.msk [tilespmem:v6+s2+$0x0], $0xffff  }
0xbc: {  	s1 =	sor.u32 s20, s13;
	[tilespmem:s12+$0x0] =	vst v1  }
0xbd: {  	s14 =	sadd.s32 $0x9300, s6;
	s0 =	sor.u32 s3, s13;
	[tilespmem:s1+$0x0] =	vst v2  }
0xbe: {  	s15 =	sor.u32 s7, s14;
	[tilespmem:s0+$0x0] =	vst v3  }
0xbf: {  	s1 =	sor.u32 s8, s14;
	[tilespmem:s15+$0x0] =	vst v4  }
0xc0: {  	[tilespmem:s1+$0x0] =	vst v0  }
0xc1: {  	s18 =	simm.s32 $0x9180;
	s0 =	rddreg [dreg:$0x9]  }
0xc2: {  	[hbm4b:s0+s21] =	stream.strided.scatter [tilespmem:s18], [sflag:$0x4], $0x5000, s22, s21, $0x38;
	[tilespmem:$0xE180] =	vst v63  }
0xc3: {  	s20 =	simm.s32 $0x2D80;
	s19 =	rddreg [dreg:$0xa]  }
0xc4: {  	[tilespmem:s20], [sflag:$0x2] =	stream.strided.gather [hbm4b:s19+s16], $0x1400, s17, s16, $0x38;
	[tilespmem:$0xE180] =	vst v63  }
0xc5: {  	_ =	swait.ge [sflag:s4], $0x1400  }
0xc6: {  	s23 =	simm.s32 $0x0;
	[sflag:s4] =	ssyncset.done $0x0  }
0xc7: {  	s25 =	sand.u32 $0x7E00, s23;
	[sflag:s4] =	ssyncadd.s32 $0xFFFFEC00  }
0xc8: {  	s5 =	sshrl.u32 s25, $0x2;
	s1 =	sand.u32 $0x60, s23;
	_ =	swait.ge [sflag:s26], $0x5000  }
0xc9: {  	s6 =	sadd.s32 $0x1980, s5;
	s7 =	sor.u32 $0x10, s1;
	[sflag:s26] =	ssyncset.done $0x0  }
0xca: {  	s0 =	sor.u32 s7, s6;
	[sflag:s26] =	ssyncadd.s32 $0xFFFFB000  }
0xcb: {  	s8 =	simm.s32 $0x80;
	v0 =	vld [tilespmem:s0+$0x0]  }
0xcc: {  	s14 =	simm.s32 $0x20;
	s9 =	sand.u32 $0x7E00, s8  }
0xcd: {  	s15 =	sshrl.u32 s9, $0x2;
	s0 =	sand.u32 $0x60, s14  }
0xce: {  	s8 =	sadd.s32 $0x1980, s15;
	s18 =	sor.u32 $0x10, s0  }
0xcf: {  	s19 =	sor.u32 s18, s8  }
0xd0: {  	v1 =	vshll.u32 v0, $0x2;
	v0 =	vld [tilespmem:s19+$0x0];
	_ =	sdelay $0x2  }
0xd1: {  	s5 =	sor.u32 s1, s6  }
0xd2: {  	v2 =	vld [tilespmem:s5+$0x0]  }
0xd3: {  	v3 =	vld.idx.msk [tilespmem:v1+s2+$0x0], $0xffff;
	v5 =	vshll.u32 v0, $0x2  }
0xd4: {  	v4 =	vor.u32 $0x1, v1  }
0xd5: {  	s12 =	sadd.s32 $0x4180, s25;
	s23 =	simm.s32 $0x100  }
0xd6: {  	s25 =	simm.s32 $0x40;
	s20 =	sor.u32 s0, s8;
	s8 =	sand.u32 $0x7E00, s23  }
0xd7: {  	s11 =	sand.u32 $0x60, s25;
	s6 =	sor.u32 s7, s12;
	s10 =	sshrl.u32 s8, $0x2;
	v0 =	vld [tilespmem:s20+$0x0]  }
0xd8: {  	s5 =	sor.u32 $0x10, s11;
	s3 =	sadd.s32 $0x1980, s10;
	v2 =	vshll.u32 v2, $0x2;
	[tilespmem:s6+$0x0] =	vst v3;
	v6 =	vld.idx.msk [tilespmem:v5+s2+$0x0], $0xffff  }
0xd9: {  	s13 =	sor.u32 s5, s3;
	v8 =	vor.u32 $0x1, v5;
	v3 =	vld.idx.msk [tilespmem:v4+s2+$0x0], $0xffff  }
0xda: {  	s15 =	simm.s32 $0x60;
	s14 =	simm.s32 $0x180;
	v7 =	vld [tilespmem:s13+$0x0]  }
0xdb: {  	s10 =	sand.u32 $0x7E00, s14;
	s3 =	sor.u32 s11, s3;
	s13 =	sadd.s32 $0x4180, s9;
	v4 =	vor.u32 $0x2, v1  }
0xdc: {  	v11 =	vld [tilespmem:s3+$0x0];
	s9 =	sand.u32 $0x60, s15;
	s30 =	sor.u32 s18, s13;
	s18 =	sshrl.u32 s10, $0x2  }
0xdd: {  	s19 =	simm.s32 $0x200;
	s25 =	sor.u32 $0x10, s9;
	s14 =	sadd.s32 $0x1980, s18;
	v10 =	vld.idx.msk [tilespmem:v2+s2+$0x0], $0xffff;
	[tilespmem:s30+$0x0] =	vst v6  }
0xde: {  	s31 =	simm.s32 $0x80;
	s7 =	sand.u32 $0x7E00, s19;
	s20 =	sor.u32 s25, s14;
	[tilespmem:s6+$0x80] =	vst v3;
	v3 =	vshll.u32 v0, $0x2;
	v6 =	vld.idx.msk [tilespmem:v8+s2+$0x0], $0xffff  }
0xdf: {  	s3 =	sand.u32 $0x60, s31;
	s18 =	sshrl.u32 s7, $0x2;
	v0 =	vshll.u32 v7, $0x2;
	v8 =	vld [tilespmem:s20+$0x0]  }
0xe0: {  	s23 =	sadd.s32 $0x1980, s18;
	s14 =	sor.u32 s9, s14;
	v7 =	vor.u32 $0x1, v2;
	s20 =	sor.u32 $0x10, s3;
	v4 =	vld.idx.msk [tilespmem:v4+s2+$0x0], $0xffff  }
0xe1: {  	v12 =	vld [tilespmem:s14+$0x0];
	v13 =	vor.u32 $0x2, v5;
	s18 =	sor.u32 s20, s23  }
0xe2: {  	s1 =	sor.u32 s1, s12;
	v1 =	vor.u32 $0x3, v1;
	v9 =	vld [tilespmem:s18+$0x0]  }
0xe3: {  	v11 =	vshll.u32 v11, $0x2;
	[tilespmem:s1+$0x0] =	vst v10;
	v14 =	vld.idx.msk [tilespmem:v3+s2+$0x0], $0xffff  }
0xe4: {  	v15 =	vor.u32 $0x1, v3;
	v10 =	vld.idx.msk [tilespmem:v0+s2+$0x0], $0xffff;
	[tilespmem:s30+$0x80] =	vst v6  }
0xe5: {  	v7 =	vld.idx.msk [tilespmem:v7+s2+$0x0], $0xffff;
	[tilespmem:s6+$0x100] =	vst v4;
	v4 =	vor.u32 $0x1, v0  }
0xe6: {  	v16 =	vor.u32 $0x2, v2;
	v6 =	vld.idx.msk [tilespmem:v13+s2+$0x0], $0xffff  }
0xe7: {  	s19 =	sadd.s32 $0x4180, s8;
	s0 =	sor.u32 s0, s13;
	v17 =	vld.idx.msk [tilespmem:v1+s2+$0x0], $0xffff;
	v1 =	vshll.u32 v8, $0x2  }
0xe8: {  	s8 =	sor.u32 s5, s19;
	v5 =	vor.u32 $0x3, v5;
	v8 =	vld.idx.msk [tilespmem:v11+s2+$0x0], $0xffff;
	[tilespmem:s0+$0x0] =	vst v14  }
0xe9: {  	[tilespmem:s8+$0x0] =	vst v10;
	v13 =	vld.idx.msk [tilespmem:v15+s2+$0x0], $0xffff  }
0xea: {  	[tilespmem:s1+$0x80] =	vst v7;
	v14 =	vshll.u32 v12, $0x2;
	v7 =	vld.idx.msk [tilespmem:v4+s2+$0x0], $0xffff  }
0xeb: {  	v19 =	vor.u32 $0x2, v0;
	v18 =	vld.idx.msk [tilespmem:v16+s2+$0x0], $0xffff;
	[tilespmem:s30+$0x100] =	vst v6  }
0xec: {  	v10 =	vor.u32 $0x1, v11;
	[tilespmem:s6+$0x180] =	vst v17;
	s6 =	sor.u32 s11, s19;
	v15 =	vld.idx.msk [tilespmem:v1+s2+$0x0], $0xffff  }
0xed: {  	s23 =	sor.u32 s3, s23;
	v12 =	vld.idx.msk [tilespmem:v5+s2+$0x0], $0xffff;
	[tilespmem:s6+$0x0] =	vst v8;
	v8 =	vor.u32 $0x2, v3  }
0xee: {  	v6 =	vor.u32 $0x3, v2;
	v16 =	vor.u32 $0x1, v1;
	v17 =	vld [tilespmem:s23+$0x0];
	[tilespmem:s0+$0x80] =	vst v13  }
0xef: {  	v2 =	vor.u32 $0x3, v3;
	v4 =	vor.u32 $0x3, v11;
	v5 =	vor.u32 $0x2, v11;
	v13 =	vld.idx.msk [tilespmem:v14+s2+$0x0], $0xffff;
	[tilespmem:s8+$0x80] =	vst v7  }
0xf0: {  	s12 =	simm.s32 $0x280;
	s13 =	sadd.s32 $0x4180, s10;
	v11 =	vor.u32 $0x1, v14;
	s11 =	simm.s32 $0x8;
	v3 =	vor.u32 $0x3, v14;
	v7 =	vor.u32 $0x2, v14;
	[tilespmem:s1+$0x100] =	vst v18;
	v14 =	vld.idx.msk [tilespmem:v19+s2+$0x0], $0xffff  }
.LBB2_6:
0xf1: {  	s10 =	sand.u32 $0x7E00, s12;
	v18 =	vshll.u32 v9, $0x2;
	s31 =	sadd.s32 $0x20, s31;
	s5 =	sor.u32 s25, s13;
	v19 =	vld.idx.msk [tilespmem:v10+s2+$0x0], $0xffff;
	v10 =	vmov v11  }
0xf2: {  	s11 =	sadd.s32 $0x2, s11;
	v20 =	vor.u32 $0x3, v0;
	v0 =	vmovc v1;
	s14 =	sand.u32 $0x60, s31;
	s15 =	sshrl.u32 s10, $0x2;
	[tilespmem:s5+$0x0] =	vst v15;
	v21 =	vld.idx.msk [tilespmem:v8+s2+$0x0], $0xffff;
	v1 =	vmovc v18;
	v8 =	vmov v5;
	v5 =	vmov v7  }
0xf3: {  	p0 =	slt.u32 s11, $0x13E;
	s15 =	sadd.s32 $0x1980, s15;
	s18 =	sor.u32 $0x10, s14;
	v22 =	vshll.u32 v17, $0x2;
	v23 =	vld.idx.msk [tilespmem:v16+s2+$0x0], $0xffff;
	[tilespmem:s30+$0x180] =	vst v12  }
0xf4: {  	s13 =	sor.u32 s9, s13;
	s19 =	sor.u32 s14, s15;
	s15 =	sor.u32 s18, s15;
	v11 =	vor.u32 $0x1, v22;
	v7 =	vor.u32 $0x2, v22;
	v12 =	vor.u32 $0x3, v22;
	v24 =	vld.idx.msk [tilespmem:v6+s2+$0x0], $0xffff;
	v6 =	vmovc v2;
	v2 =	vmovc v4  }
0xf5: {  	s9 =	smov.u32 s3;
	v25 =	vor.u32 $0x2, v0;
	s30 =	smov.u32 s8;
	s8 =	smov.u32 s5;
	v4 =	vmov v3;
	v9 =	vld [tilespmem:s15+$0x0];
	[tilespmem:s13+$0x0] =	vst v13;
	v3 =	vmov v12  }
.Ltmp2:
0xf6: {  	s25 =	smov.u32 s20;
	s3 =	smov.u32 s14;
	v15 =	vld.idx.msk [tilespmem:v18+s2+$0x0], $0xffff;
	[tilespmem:s30+$0x100] =	vst v14;
	(pc) =	sbr.rel @p0 .LBB2_6-.Ltmp2, $4  }
0xf7: {  	s5 =	smov.u32 s1;
	s1 =	smov.u32 s0;
	s20 =	smov.u32 s18;
	[tilespmem:s6+$0x80] =	vst v19;
	v12 =	vld.idx.msk [tilespmem:v20+s2+$0x0], $0xffff  }
0xf8: {  	v16 =	vor.u32 $0x1, v1;
	s0 =	smov.u32 s6;
	s6 =	smov.u32 s13;
	v17 =	vld [tilespmem:s19+$0x0];
	[tilespmem:s1+$0x100] =	vst v21  }
0xf9: {  	v13 =	vld.idx.msk [tilespmem:v22+s2+$0x0], $0xffff;
	[tilespmem:s8+$0x80] =	vst v23  }
0xfa: {  	s12 =	sadd.s32 $0x80, s12;
	s13 =	sadd.s32 $0x4180, s7;
	s7 =	smov.u32 s10;
	v14 =	vld.idx.msk [tilespmem:v25+s2+$0x0], $0xffff;
	[tilespmem:s5+$0x180] =	vst v24  }
0xfb: {  	_ = 	snop  }
0xfc: {  	v9 =	vshll.u32 v9, $0x2  }
0xfd: {  	v17 =	vshll.u32 v17, $0x2;
	_ =	sdelay $0x2  }
0xfe: {  	s5 =	sor.u32 s25, s13;
	v10 =	vld.idx.msk [tilespmem:v10+s2+$0x0], $0xffff  }
0xff: {  	[tilespmem:s5+$0x0] =	vst v15;
	v18 =	vld.idx.msk [tilespmem:v9+s2+$0x0], $0xffff  }
0x100: {  	s9 =	sor.u32 s9, s13;
	v15 =	vor.u32 $0x1, v9;
	[tilespmem:s30+$0x180] =	vst v12;
	v12 =	vld.idx.msk [tilespmem:v17+s2+$0x0], $0xffff  }
0x101: {  	v8 =	vld.idx.msk [tilespmem:v8+s2+$0x0], $0xffff;
	v19 =	vor.u32 $0x1, v17;
	[tilespmem:s9+$0x0] =	vst v13  }
0x102: {  	s7 =	sadd.s32 $0x4180, s7;
	v0 =	vor.u32 $0x3, v0;
	v6 =	vld.idx.msk [tilespmem:v6+s2+$0x0], $0xffff;
	[tilespmem:s8+$0x100] =	vst v14  }
0x103: {  	s10 =	sor.u32 s20, s7;
	v13 =	vld.idx.msk [tilespmem:v16+s2+$0x0], $0xffff;
	[tilespmem:s6+$0x80] =	vst v10  }
0x104: {  	s3 =	sor.u32 s3, s7;
	v14 =	vor.u32 $0x2, v1;
	v11 =	vld.idx.msk [tilespmem:v11+s2+$0x0], $0xffff;
	[tilespmem:s10+$0x0] =	vst v18  }
0x105: {  	v10 =	vld.idx.msk [tilespmem:v15+s2+$0x0], $0xffff;
	[tilespmem:s3+$0x0] =	vst v12  }
0x106: {  	[tilespmem:s0+$0x100] =	vst v8;
	v12 =	vor.u32 $0x2, v9;
	v8 =	vld.idx.msk [tilespmem:v19+s2+$0x0], $0xffff  }
0x107: {  	v0 =	vld.idx.msk [tilespmem:v0+s2+$0x0], $0xffff;
	[tilespmem:s1+$0x180] =	vst v6;
	v15 =	vor.u32 $0x2, v17  }
0x108: {  	v5 =	vld.idx.msk [tilespmem:v5+s2+$0x0], $0xffff;
	[tilespmem:s5+$0x80] =	vst v13  }
0x109: {  	v13 =	vld.idx.msk [tilespmem:v14+s2+$0x0], $0xffff;
	[tilespmem:s9+$0x80] =	vst v11  }
0x10a: {  	v1 =	vor.u32 $0x3, v1;
	v7 =	vld.idx.msk [tilespmem:v7+s2+$0x0], $0xffff;
	[tilespmem:s10+$0x80] =	vst v10  }
0x10b: {  	v6 =	vld.idx.msk [tilespmem:v12+s2+$0x0], $0xffff;
	[tilespmem:s3+$0x80] =	vst v8  }
0x10c: {  	[tilespmem:s8+$0x180] =	vst v0;
	v9 =	vor.u32 $0x3, v9;
	v0 =	vld.idx.msk [tilespmem:v15+s2+$0x0], $0xffff  }
0x10d: {  	v2 =	vld.idx.msk [tilespmem:v2+s2+$0x0], $0xffff;
	[tilespmem:s6+$0x100] =	vst v5;
	v8 =	vor.u32 $0x3, v17  }
0x10e: {  	v4 =	vld.idx.msk [tilespmem:v4+s2+$0x0], $0xffff;
	[tilespmem:s5+$0x100] =	vst v13  }
0x10f: {  	v1 =	vld.idx.msk [tilespmem:v1+s2+$0x0], $0xffff;
	[tilespmem:s9+$0x100] =	vst v7  }
0x110: {  	v3 =	vld.idx.msk [tilespmem:v3+s2+$0x0], $0xffff;
	[tilespmem:s10+$0x100] =	vst v6  }
0x111: {  	v5 =	vld.idx.msk [tilespmem:v9+s2+$0x0], $0xffff;
	[tilespmem:s3+$0x100] =	vst v0  }
0x112: {  	[tilespmem:s0+$0x180] =	vst v2;
	v0 =	vld.idx.msk [tilespmem:v8+s2+$0x0], $0xffff  }
0x113: {  	[tilespmem:s6+$0x180] =	vst v4  }
0x114: {  	[tilespmem:s5+$0x180] =	vst v1  }
0x115: {  	[tilespmem:s9+$0x180] =	vst v3  }
0x116: {  	[tilespmem:s10+$0x180] =	vst v5  }
0x117: {  	[tilespmem:s3+$0x180] =	vst v0  }
0x118: {  	s11 =	simm.s32 $0x4180;
	s0 =	rddreg [dreg:$0xb]  }
0x119: {  	[hbm4b:s0+s21] =	stream.strided.scatter [tilespmem:s11], [sflag:$0x3], $0x5000, s22, s21, $0x38;
	[tilespmem:$0xE180] =	vst v63  }
0x11a: {  	s13 =	simm.s32 $0x1980;
	s12 =	rddreg [dreg:$0xc]  }
0x11b: {  	[tilespmem:s13], [sflag:$0x1] =	stream.strided.gather [hbm4b:s12+s16], $0x1400, s17, s16, $0x38;
	[tilespmem:$0xE180] =	vst v63  }
0x11c: {  	_ =	swait.ge [sflag:s24], $0x1400  }
0x11d: {  	s14 =	simm.s32 $0x0;
	[sflag:s24] =	ssyncset.done $0x0  }
0x11e: {  	s12 =	sand.u32 $0x7E00, s14;
	[sflag:s24] =	ssyncadd.s32 $0xFFFFEC00  }
0x11f: {  	s15 =	sshrl.u32 s12, $0x2;
	_ =	swait.ge [sflag:s28], $0x5000  }
0x120: {  	s10 =	sand.u32 $0x60, s14;
	s18 =	sadd.s32 $0x2D80, s15;
	[sflag:s28] =	ssyncset.done $0x0  }
0x121: {  	s9 =	sor.u32 $0x10, s10;
	s1 =	sor.u32 s10, s18;
	[sflag:s28] =	ssyncadd.s32 $0xFFFFB000  }
0x122: {  	s0 =	sor.u32 s9, s18;
	v0 =	vld [tilespmem:s1+$0x0]  }
0x123: {  	v1 =	vld [tilespmem:s0+$0x0];
	_ =	sdelay $0x1  }
0x124: {  	s19 =	simm.s32 $0x80  }
0x125: {  	s23 =	simm.s32 $0x20;
	s30 =	sand.u32 $0x7E00, s19  }
0x126: {  	s20 =	sshrl.u32 s30, $0x2;
	s0 =	sand.u32 $0x60, s23;
	v3 =	vshll.u32 v0, $0x2  }
0x127: {  	s1 =	sadd.s32 $0x2D80, s20;
	s31 =	sor.u32 $0x10, s0;
	v4 =	vshll.u32 v1, $0x2  }
0x128: {  	s25 =	sor.u32 s0, s1;
	s1 =	sor.u32 s31, s1  }
0x129: {  	v2 =	vld [tilespmem:s1+$0x0]  }
0x12a: {  	v0 =	vld [tilespmem:s25+$0x0]  }
0x12b: {  	v1 =	vld.idx.msk [tilespmem:v3+s2+$0x0], $0xffff  }
0x12c: {  	v6 =	vor.u32 $0x1, v3;
	v5 =	vld.idx.msk [tilespmem:v4+s2+$0x0], $0xffff  }
0x12d: {  	v7 =	vor.u32 $0x1, v4  }
0x12e: {  	s6 =	simm.s32 $0x100;
	s5 =	sadd.s32 $0x9180, s12  }
0x12f: {  	s7 =	sor.u32 s10, s5;
	s1 =	sand.u32 $0x7E00, s6;
	v0 =	vshll.u32 v0, $0x2  }
0x130: {  	s11 =	simm.s32 $0x40;
	s3 =	sor.u32 s9, s5;
	s8 =	sshrl.u32 s1, $0x2;
	[tilespmem:s7+$0x0] =	vst v1  }
0x131: {  	s20 =	sand.u32 $0x60, s11;
	s5 =	sadd.s32 $0x2D80, s8;
	v1 =	vshll.u32 v2, $0x2;
	[tilespmem:s3+$0x0] =	vst v5;
	v2 =	vld.idx.msk [tilespmem:v6+s2+$0x0], $0xffff  }
0x132: {  	s13 =	sor.u32 s20, s5;
	v5 =	vld.idx.msk [tilespmem:v7+s2+$0x0], $0xffff  }
0x133: {  	v6 =	vld [tilespmem:s13+$0x0]  }
0x134: {  	v8 =	vor.u32 $0x2, v3;
	s3 =	sor.u32 $0x10, s20;
	v7 =	vld.idx.msk [tilespmem:v0+s2+$0x0], $0xffff  }
0x135: {  	s14 =	sadd.s32 $0x9200, s12;
	v9 =	vor.u32 $0x2, v4;
	s5 =	sor.u32 s3, s5  }
0x136: {  	s15 =	sor.u32 s10, s14;
	v12 =	vor.u32 $0x1, v0;
	v11 =	vld [tilespmem:s5+$0x0]  }
0x137: {  	s19 =	sor.u32 s9, s14;
	s18 =	sadd.s32 $0x9180, s30;
	s23 =	simm.s32 $0x180;
	v10 =	vld.idx.msk [tilespmem:v1+s2+$0x0], $0xffff;
	[tilespmem:s15+$0x0] =	vst v2  }
0x138: {  	s6 =	sand.u32 $0x7E00, s23;
	s25 =	sor.u32 s0, s18;
	v13 =	vor.u32 $0x1, v1;
	[tilespmem:s19+$0x0] =	vst v5  }
0x139: {  	s13 =	sshrl.u32 s6, $0x2;
	v2 =	vshll.u32 v6, $0x2;
	[tilespmem:s25+$0x0] =	vst v7;
	s25 =	simm.s32 $0x60;
	v6 =	vld.idx.msk [tilespmem:v8+s2+$0x0], $0xffff  }
0x13a: {  	s14 =	sadd.s32 $0x2D80, s13;
	v5 =	vld.idx.msk [tilespmem:v9+s2+$0x0], $0xffff;
	s7 =	sand.u32 $0x60, s25  }
0x13b: {  	s11 =	sor.u32 s31, s18;
	v8 =	vor.u32 $0x3, v3;
	v3 =	vshll.u32 v11, $0x2;
	v12 =	vld.idx.msk [tilespmem:v12+s2+$0x0], $0xffff;
	s8 =	sor.u32 s7, s14  }
0x13c: {  	v15 =	vld [tilespmem:s8+$0x0];
	[tilespmem:s11+$0x0] =	vst v10  }
0x13d: {  	v4 =	vor.u32 $0x3, v4;
	s8 =	sor.u32 $0x10, s7;
	v14 =	vld.idx.msk [tilespmem:v13+s2+$0x0], $0xffff  }
0x13e: {  	v63 =	vor.u32 $0x2, v0;
	s11 =	sadd.s32 $0x9280, s12;
	s5 =	sor.u32 s8, s14;
	v7 =	vld.idx.msk [tilespmem:v2+s2+$0x0], $0xffff  }
0x13f: {  	s15 =	sor.u32 s10, s11;
	v11 =	vld [tilespmem:s5+$0x0]  }
0x140: {  	s14 =	sadd.s32 $0x9200, s30;
	v10 =	vor.u32 $0x2, v1;
	s18 =	sor.u32 s9, s11;
	[tilespmem:s15+$0x0] =	vst v6;
	v9 =	vld.idx.msk [tilespmem:v3+s2+$0x0], $0xffff  }
0x141: {  	s12 =	sadd.s32 $0x9300, s12;
	s11 =	simm.s32 $0x6;
	s19 =	sor.u32 s0, s14;
	[tilespmem:s18+$0x0] =	vst v5;
	v6 =	vld.idx.msk [tilespmem:v8+s2+$0x0], $0xffff  }
0x142: {  	s23 =	sor.u32 s31, s14;
	s13 =	sor.u32 s10, s12;
	v13 =	vor.u32 $0x1, v2;
	s18 =	sadd.s32 $0x9180, s1;
	[tilespmem:s19+$0x0] =	vst v12;
	v8 =	vld.idx.msk [tilespmem:v4+s2+$0x0], $0xffff  }
0x143: {  	s10 =	simm.s32 $0x200;
	v12 =	vor.u32 $0x1, v3;
	s15 =	sor.u32 s20, s18;
	s14 =	sor.u32 s3, s18;
	v5 =	vld.idx.msk [tilespmem:v63+s2+$0x0], $0xffff;
	v4 =	vshll.u32 v15, $0x2;
	[tilespmem:s23+$0x0] =	vst v14  }
.LBB2_8:
0x144: {  	s11 =	sadd.s32 $0x2, s11;
	[tilespmem:s15+$0x0] =	vst v7;
	s5 =	sor.u32 s9, s12;
	s15 =	smov.u32 s1  }
0x145: {  	v14 =	vld.idx.msk [tilespmem:v10+s2+$0x0], $0xffff;
	s1 =	smov.u32 s6;
	s6 =	sand.u32 $0x7E00, s10;
	s18 =	smov.u32 s0  }
0x146: {  	s25 =	sadd.s32 $0x20, s25;
	v15 =	vor.u32 $0x3, v0;
	v0 =	vmov v2;
	v2 =	vmov v4;
	s0 =	sshrl.u32 s6, $0x2;
	p0 =	slt.u32 s11, $0x13E;
	[tilespmem:s13+$0x0] =	vst v6  }
0x147: {  	s9 =	sand.u32 $0x60, s25;
	s12 =	sadd.s32 $0x2D80, s0;
	v11 =	vshll.u32 v11, $0x2;
	v16 =	vld.idx.msk [tilespmem:v13+s2+$0x0], $0xffff;
	[tilespmem:s14+$0x0] =	vst v9;
	s0 =	smov.u32 s20  }
0x148: {  	s19 =	sadd.s32 $0x9280, s30;
	v18 =	vor.u32 $0x3, v1;
	v1 =	vmov v3;
	s14 =	sor.u32 $0x10, s9;
	s13 =	sor.u32 s9, s12;
	v17 =	vld.idx.msk [tilespmem:v12+s2+$0x0], $0xffff;
	v3 =	vmov v11  }
0x149: {  	s23 =	sor.u32 s18, s19;
	s20 =	smov.u32 s7;
	s12 =	sor.u32 s14, s12;
	v7 =	vld.idx.msk [tilespmem:v4+s2+$0x0], $0xffff;
	[tilespmem:s5+$0x0] =	vst v8  }
0x14a: {  	v19 =	vor.u32 $0x2, v0;
	s7 =	smov.u32 s9;
	s9 =	smov.u32 s31;
	s5 =	sor.u32 s31, s19;
	v4 =	vld [tilespmem:s13+$0x0];
	[tilespmem:s23+$0x0] =	vst v5  }
.Ltmp3:
0x14b: {  	v10 =	vor.u32 $0x2, v1;
	s31 =	smov.u32 s3;
	s3 =	smov.u32 s8;
	v6 =	vld.idx.msk [tilespmem:v15+s2+$0x0], $0xffff;
	[tilespmem:s5+$0x0] =	vst v14;
	(pc) =	sbr.rel @p0 .LBB2_8-.Ltmp3, $4  }
0x14c: {  	s8 =	smov.u32 s14;
	s5 =	sadd.s32 $0x9200, s15;
	v9 =	vld.idx.msk [tilespmem:v11+s2+$0x0], $0xffff  }
0x14d: {  	v13 =	vor.u32 $0x1, v2;
	s13 =	sor.u32 s0, s5;
	v11 =	vld [tilespmem:s12+$0x0];
	s12 =	sadd.s32 $0x9300, s30;
	s30 =	smov.u32 s15  }
0x14e: {  	s14 =	sadd.s32 $0x9180, s1;
	v12 =	vor.u32 $0x1, v3;
	s5 =	sor.u32 s31, s5;
	[tilespmem:s13+$0x0] =	vst v16;
	s13 =	sor.u32 s18, s12;
	v8 =	vld.idx.msk [tilespmem:v18+s2+$0x0], $0xffff  }
0x14f: {  	s10 =	sadd.s32 $0x80, s10;
	s15 =	sor.u32 s20, s14;
	s14 =	sor.u32 s3, s14;
	v4 =	vshll.u32 v4, $0x2;
	v5 =	vld.idx.msk [tilespmem:v19+s2+$0x0], $0xffff;
	[tilespmem:s5+$0x0] =	vst v17  }
0x150: {  	_ =	sdelay $0x1  }
0x151: {  	v11 =	vshll.u32 v11, $0x2;
	_ =	sdelay $0x3  }
0x152: {  	v14 =	vld.idx.msk [tilespmem:v4+s2+$0x0], $0xffff  }
0x153: {  	v16 =	vor.u32 $0x1, v4;
	v15 =	vld.idx.msk [tilespmem:v11+s2+$0x0], $0xffff  }
0x154: {  	v17 =	vor.u32 $0x1, v11  }
0x155: {  	[tilespmem:s15+$0x0] =	vst v7;
	s5 =	sadd.s32 $0x9180, s6  }
0x156: {  	v7 =	vld.idx.msk [tilespmem:v13+s2+$0x0], $0xffff;
	[tilespmem:s14+$0x0] =	vst v9;
	s10 =	sor.u32 s7, s5  }
0x157: {  	s5 =	sor.u32 s8, s5;
	v9 =	vld.idx.msk [tilespmem:v12+s2+$0x0], $0xffff;
	v12 =	vor.u32 $0x2, v2;
	[tilespmem:s10+$0x0] =	vst v14  }
0x158: {  	v13 =	vor.u32 $0x2, v3;
	v14 =	vld.idx.msk [tilespmem:v16+s2+$0x0], $0xffff;
	[tilespmem:s5+$0x0] =	vst v15  }
0x159: {  	s12 =	sor.u32 s9, s12;
	[tilespmem:s13+$0x0] =	vst v6;
	s14 =	sadd.s32 $0x9200, s1;
	v15 =	vor.u32 $0x2, v4;
	v6 =	vld.idx.msk [tilespmem:v17+s2+$0x0], $0xffff  }
0x15a: {  	s15 =	sor.u32 s20, s14;
	[tilespmem:s12+$0x0] =	vst v8;
	v8 =	vor.u32 $0x2, v11  }
0x15b: {  	v10 =	vld.idx.msk [tilespmem:v10+s2+$0x0], $0xffff;
	v0 =	vor.u32 $0x3, v0;
	s19 =	sadd.s32 $0x9200, s6;
	s18 =	sor.u32 s3, s14;
	[tilespmem:s15+$0x0] =	vst v7  }
0x15c: {  	v1 =	vor.u32 $0x3, v1;
	s23 =	sor.u32 s7, s19;
	v7 =	vld.idx.msk [tilespmem:v12+s2+$0x0], $0xffff;
	[tilespmem:s18+$0x0] =	vst v9  }
0x15d: {  	s25 =	sadd.s32 $0x9280, s30;
	s9 =	sor.u32 s8, s19;
	v2 =	vor.u32 $0x3, v2;
	v9 =	vld.idx.msk [tilespmem:v13+s2+$0x0], $0xffff;
	[tilespmem:s23+$0x0] =	vst v14  }
0x15e: {  	s11 =	sor.u32 s0, s25;
	v3 =	vor.u32 $0x3, v3;
	v12 =	vld.idx.msk [tilespmem:v15+s2+$0x0], $0xffff;
	[tilespmem:s9+$0x0] =	vst v6  }
0x15f: {  	s13 =	sadd.s32 $0x9280, s1;
	s12 =	sor.u32 s31, s25;
	[tilespmem:s11+$0x0] =	vst v5;
	v4 =	vor.u32 $0x3, v4;
	v5 =	vld.idx.msk [tilespmem:v8+s2+$0x0], $0xffff  }
0x160: {  	s14 =	sor.u32 s20, s13;
	v0 =	vld.idx.msk [tilespmem:v0+s2+$0x0], $0xffff;
	[tilespmem:s12+$0x0] =	vst v10;
	v6 =	vor.u32 $0x3, v11  }
0x161: {  	v1 =	vld.idx.msk [tilespmem:v1+s2+$0x0], $0xffff;
	s15 =	sor.u32 s3, s13;
	s18 =	sadd.s32 $0x9280, s6;
	[tilespmem:s14+$0x0] =	vst v7  }
0x162: {  	s19 =	sor.u32 s7, s18;
	v2 =	vld.idx.msk [tilespmem:v2+s2+$0x0], $0xffff;
	[tilespmem:s15+$0x0] =	vst v9  }
0x163: {  	s25 =	sor.u32 s8, s18;
	s23 =	sadd.s32 $0x9300, s30;
	v3 =	vld.idx.msk [tilespmem:v3+s2+$0x0], $0xffff;
	[tilespmem:s19+$0x0] =	vst v12  }
0x164: {  	s9 =	sor.u32 s0, s23;
	v4 =	vld.idx.msk [tilespmem:v4+s2+$0x0], $0xffff;
	[tilespmem:s25+$0x0] =	vst v5  }
0x165: {  	s12 =	sadd.s32 $0x9300, s1;
	s11 =	sor.u32 s31, s23;
	[tilespmem:s9+$0x0] =	vst v0;
	v0 =	vld.idx.msk [tilespmem:v6+s2+$0x0], $0xffff  }
0x166: {  	s1 =	sor.u32 s20, s12;
	[tilespmem:s11+$0x0] =	vst v1  }
0x167: {  	s13 =	sadd.s32 $0x9300, s6;
	s0 =	sor.u32 s3, s12;
	[tilespmem:s1+$0x0] =	vst v2  }
0x168: {  	s14 =	sor.u32 s7, s13;
	[tilespmem:s0+$0x0] =	vst v3  }
0x169: {  	s1 =	sor.u32 s8, s13;
	[tilespmem:s14+$0x0] =	vst v4  }
0x16a: {  	[tilespmem:s1+$0x0] =	vst v0  }
0x16b: {  	s15 =	simm.s32 $0x9180;
	s0 =	rddreg [dreg:$0xd]  }
0x16c: {  	[hbm4b:s0+s21] =	stream.strided.scatter [tilespmem:s15], [sflag:$0x4], $0x5000, s22, s21, $0x38;
	[tilespmem:$0xE180] =	vst v63  }
0x16d: {  	_ =	swait.ge [sflag:s4], $0x1400  }
0x16e: {  	s18 =	simm.s32 $0x0;
	[sflag:s4] =	ssyncset.done $0x0  }
0x16f: {  	s19 =	sand.u32 $0x7E00, s18;
	[sflag:s4] =	ssyncadd.s32 $0xFFFFEC00  }
0x170: {  	s20 =	sshrl.u32 s19, $0x2;
	s0 =	sand.u32 $0x60, s18;
	_ =	swait.ge [sflag:s26], $0x5000  }
0x171: {  	s23 =	sadd.s32 $0x1980, s20;
	s25 =	sor.u32 $0x10, s0;
	[sflag:s26] =	ssyncset.done $0x0  }
0x172: {  	s1 =	sor.u32 s25, s23;
	[sflag:s26] =	ssyncadd.s32 $0xFFFFB000  }
0x173: {  	v0 =	vld [tilespmem:s1+$0x0];
	_ =	sdelay $0x2  }
0x174: {  	s10 =	simm.s32 $0x80  }
0x175: {  	s7 =	sand.u32 $0x7E00, s10;
	s11 =	simm.s32 $0x20;
	s5 =	sor.u32 s0, s23  }
0x176: {  	s12 =	sshrl.u32 s7, $0x2;
	s1 =	sand.u32 $0x60, s11;
	v1 =	vshll.u32 v0, $0x2;
	v0 =	vld [tilespmem:s5+$0x0]  }
0x177: {  	s8 =	sadd.s32 $0x1980, s12;
	s9 =	sor.u32 $0x10, s1  }
0x178: {  	s13 =	sor.u32 s9, s8  }
0x179: {  	v2 =	vld [tilespmem:s13+$0x0];
	_ =	sdelay $0x1  }
0x17a: {  	v3 =	vld.idx.msk [tilespmem:v1+s2+$0x0], $0xffff;
	v5 =	vshll.u32 v0, $0x2  }
0x17b: {  	v4 =	vor.u32 $0x1, v1  }
0x17c: {  	s15 =	simm.s32 $0x100;
	s18 =	sadd.s32 $0x4180, s19  }
0x17d: {  	s19 =	simm.s32 $0x40;
	s11 =	sand.u32 $0x7E00, s15;
	s14 =	sor.u32 s1, s8;
	v2 =	vshll.u32 v2, $0x2  }
0x17e: {  	s3 =	sand.u32 $0x60, s19;
	s10 =	sor.u32 s25, s18;
	s20 =	sshrl.u32 s11, $0x2;
	v0 =	vld [tilespmem:s14+$0x0]  }
0x17f: {  	s23 =	sor.u32 $0x10, s3;
	s6 =	sadd.s32 $0x1980, s20;
	[tilespmem:s10+$0x0] =	vst v3;
	v7 =	vld.idx.msk [tilespmem:v5+s2+$0x0], $0xffff  }
0x180: {  	s25 =	sor.u32 s23, s6;
	v3 =	vld.idx.msk [tilespmem:v4+s2+$0x0], $0xffff  }
0x181: {  	v6 =	vor.u32 $0x2, v1;
	v4 =	vld [tilespmem:s25+$0x0]  }
0x182: {  	s6 =	sor.u32 s3, s6;
	v8 =	vor.u32 $0x1, v5;
	v10 =	vld.idx.msk [tilespmem:v2+s2+$0x0], $0xffff  }
0x183: {  	v11 =	vld [tilespmem:s6+$0x0];
	v12 =	vor.u32 $0x1, v2  }
0x184: {  	v9 =	vshll.u32 v0, $0x2  }
0x185: {  	s12 =	sadd.s32 $0x4180, s7;
	s0 =	sor.u32 s0, s18;
	s8 =	simm.s32 $0x180;
	[tilespmem:s10+$0x80] =	vst v3  }
0x186: {  	s15 =	simm.s32 $0x60;
	s14 =	sand.u32 $0x7E00, s8;
	s8 =	sor.u32 s9, s12;
	[tilespmem:s0+$0x0] =	vst v7;
	v0 =	vshll.u32 v4, $0x2;
	v3 =	vld.idx.msk [tilespmem:v6+s2+$0x0], $0xffff  }
0x187: {  	s7 =	sand.u32 $0x60, s15;
	s18 =	sshrl.u32 s14, $0x2;
	[tilespmem:s8+$0x0] =	vst v10;
	v6 =	vld.idx.msk [tilespmem:v8+s2+$0x0], $0xffff  }
0x188: {  	s31 =	sor.u32 $0x10, s7;
	s5 =	sadd.s32 $0x1980, s18;
	v7 =	vshll.u32 v11, $0x2;
	v8 =	vld.idx.msk [tilespmem:v12+s2+$0x0], $0xffff  }
0x189: {  	s19 =	sor.u32 s31, s5;
	v11 =	vor.u32 $0x2, v2;
	v4 =	vld.idx.msk [tilespmem:v9+s2+$0x0], $0xffff  }
0x18a: {  	v1 =	vor.u32 $0x3, v1;
	v10 =	vld [tilespmem:s19+$0x0]  }
0x18b: {  	s5 =	sor.u32 s7, s5;
	v12 =	vor.u32 $0x1, v9;
	v13 =	vld.idx.msk [tilespmem:v0+s2+$0x0], $0xffff  }
0x18c: {  	v15 =	vld [tilespmem:s5+$0x0];
	v16 =	vor.u32 $0x1, v0;
	[tilespmem:s10+$0x100] =	vst v3  }
0x18d: {  	s1 =	sor.u32 s1, s12;
	v17 =	vld.idx.msk [tilespmem:v7+s2+$0x0], $0xffff;
	v3 =	vor.u32 $0x2, v5;
	[tilespmem:s8+$0x80] =	vst v8  }
0x18e: {  	s11 =	sadd.s32 $0x4180, s11;
	s20 =	simm.s32 $0x200;
	[tilespmem:s1+$0x0] =	vst v4;
	v4 =	vld.idx.msk [tilespmem:v11+s2+$0x0], $0xffff  }
0x18f: {  	s20 =	sand.u32 $0x7E00, s20;
	s6 =	sor.u32 s23, s11;
	s25 =	simm.s32 $0x80;
	v2 =	vor.u32 $0x3, v2;
	v14 =	vld.idx.msk [tilespmem:v1+s2+$0x0], $0xffff  }
0x190: {  	s5 =	sshrl.u32 s20, $0x2;
	s9 =	sand.u32 $0x60, s25;
	v1 =	vshll.u32 v10, $0x2;
	v10 =	vld.idx.msk [tilespmem:v12+s2+$0x0], $0xffff;
	[tilespmem:s6+$0x0] =	vst v13  }
0x191: {  	s5 =	sadd.s32 $0x1980, s5;
	s30 =	sor.u32 $0x10, s9;
	[tilespmem:s0+$0x80] =	vst v6;
	v16 =	vld.idx.msk [tilespmem:v16+s2+$0x0], $0xffff  }
0x192: {  	s23 =	sor.u32 s30, s5;
	v13 =	vld.idx.msk [tilespmem:v3+s2+$0x0], $0xffff;
	v3 =	vshll.u32 v15, $0x2  }
0x193: {  	s3 =	sor.u32 s3, s11;
	v18 =	vor.u32 $0x2, v0;
	v15 =	vld [tilespmem:s23+$0x0];
	[tilespmem:s8+$0x100] =	vst v4  }
0x194: {  	v8 =	vor.u32 $0x2, v9;
	[tilespmem:s3+$0x0] =	vst v17;
	v11 =	vld.idx.msk [tilespmem:v2+s2+$0x0], $0xffff;
	v2 =	vor.u32 $0x3, v9;
	v9 =	vor.u32 $0x1, v7  }
0x195: {  	s5 =	sor.u32 s9, s5;
	[tilespmem:s10+$0x180] =	vst v14;
	v14 =	vld.idx.msk [tilespmem:v1+s2+$0x0], $0xffff  }
0x196: {  	v17 =	vld [tilespmem:s5+$0x0];
	[tilespmem:s6+$0x80] =	vst v16;
	v16 =	vor.u32 $0x1, v1  }
0x197: {  	v6 =	vor.u32 $0x3, v5;
	v5 =	vor.u32 $0x2, v7;
	[tilespmem:s1+$0x80] =	vst v10;
	v4 =	vor.u32 $0x3, v7;
	v12 =	vld.idx.msk [tilespmem:v3+s2+$0x0], $0xffff  }
0x198: {  	s11 =	simm.s32 $0x280;
	s13 =	sadd.s32 $0x4180, s14;
	v10 =	vor.u32 $0x1, v3;
	s10 =	simm.s32 $0x8;
	v7 =	vor.u32 $0x2, v3;
	v3 =	vor.u32 $0x3, v3;
	[tilespmem:s0+$0x100] =	vst v13;
	v13 =	vld.idx.msk [tilespmem:v18+s2+$0x0], $0xffff  }
.LBB2_10:
0x199: {  	s12 =	sand.u32 $0x7E00, s11;
	v18 =	vshll.u32 v15, $0x2;
	s25 =	sadd.s32 $0x20, s25;
	s5 =	sor.u32 s31, s13;
	v19 =	vld.idx.msk [tilespmem:v9+s2+$0x0], $0xffff;
	v9 =	vmov v10  }
0x19a: {  	s10 =	sadd.s32 $0x2, s10;
	v20 =	vor.u32 $0x3, v0;
	v0 =	vmovc v1;
	s14 =	sand.u32 $0x60, s25;
	s15 =	sshrl.u32 s12, $0x2;
	[tilespmem:s5+$0x0] =	vst v14;
	v21 =	vld.idx.msk [tilespmem:v8+s2+$0x0], $0xffff;
	v1 =	vmovc v18;
	v8 =	vmov v5;
	v5 =	vmov v7  }
0x19b: {  	p0 =	slt.u32 s10, $0x13E;
	s15 =	sadd.s32 $0x1980, s15;
	s18 =	sor.u32 $0x10, s14;
	v22 =	vshll.u32 v17, $0x2;
	v23 =	vld.idx.msk [tilespmem:v16+s2+$0x0], $0xffff;
	[tilespmem:s8+$0x180] =	vst v11  }
0x19c: {  	s13 =	sor.u32 s7, s13;
	s19 =	sor.u32 s14, s15;
	s8 =	sor.u32 s18, s15;
	v10 =	vor.u32 $0x1, v22;
	v7 =	vor.u32 $0x2, v22;
	v11 =	vor.u32 $0x3, v22;
	v24 =	vld.idx.msk [tilespmem:v6+s2+$0x0], $0xffff;
	v6 =	vmovc v2;
	v2 =	vmovc v4  }
0x19d: {  	s7 =	smov.u32 s9;
	v25 =	vor.u32 $0x2, v0;
	v4 =	vmov v3;
	v15 =	vld [tilespmem:s8+$0x0];
	[tilespmem:s13+$0x0] =	vst v12;
	v3 =	vmov v11;
	s8 =	smov.u32 s6;
	s6 =	smov.u32 s5  }
.Ltmp4:
0x19e: {  	s31 =	smov.u32 s30;
	s9 =	smov.u32 s14;
	v14 =	vld.idx.msk [tilespmem:v18+s2+$0x0], $0xffff;
	[tilespmem:s8+$0x100] =	vst v13;
	(pc) =	sbr.rel @p0 .LBB2_10-.Ltmp4, $4  }
0x19f: {  	s30 =	smov.u32 s18;
	s5 =	smov.u32 s0;
	s0 =	smov.u32 s1;
	[tilespmem:s3+$0x80] =	vst v19;
	v11 =	vld.idx.msk [tilespmem:v20+s2+$0x0], $0xffff  }
0x1a0: {  	v16 =	vor.u32 $0x1, v1;
	s1 =	smov.u32 s3;
	s3 =	smov.u32 s13;
	v17 =	vld [tilespmem:s19+$0x0];
	[tilespmem:s0+$0x100] =	vst v21  }
0x1a1: {  	v12 =	vld.idx.msk [tilespmem:v22+s2+$0x0], $0xffff;
	[tilespmem:s6+$0x80] =	vst v23  }
0x1a2: {  	s11 =	sadd.s32 $0x80, s11;
	s13 =	sadd.s32 $0x4180, s20;
	s20 =	smov.u32 s12;
	v13 =	vld.idx.msk [tilespmem:v25+s2+$0x0], $0xffff;
	[tilespmem:s5+$0x180] =	vst v24  }
0x1a3: {  	_ = 	snop  }
0x1a4: {  	v15 =	vshll.u32 v15, $0x2  }
0x1a5: {  	v17 =	vshll.u32 v17, $0x2;
	_ =	sdelay $0x2  }
0x1a6: {  	s5 =	sor.u32 s31, s13;
	v9 =	vld.idx.msk [tilespmem:v9+s2+$0x0], $0xffff  }
0x1a7: {  	[tilespmem:s5+$0x0] =	vst v14;
	v18 =	vld.idx.msk [tilespmem:v15+s2+$0x0], $0xffff  }
0x1a8: {  	s7 =	sor.u32 s7, s13;
	v50 =	vor.u32 $0x1, v15;
	[tilespmem:s8+$0x180] =	vst v11;
	v51 =	vld.idx.msk [tilespmem:v17+s2+$0x0], $0xffff  }
0x1a9: {  	v8 =	vld.idx.msk [tilespmem:v8+s2+$0x0], $0xffff;
	v19 =	vor.u32 $0x1, v17;
	[tilespmem:s7+$0x0] =	vst v12  }
0x1aa: {  	s25 =	sadd.s32 $0x4180, s20;
	v0 =	vor.u32 $0x3, v0;
	v6 =	vld.idx.msk [tilespmem:v6+s2+$0x0], $0xffff;
	[tilespmem:s6+$0x100] =	vst v13  }
0x1ab: {  	s10 =	sor.u32 s30, s25;
	v52 =	vld.idx.msk [tilespmem:v16+s2+$0x0], $0xffff;
	[tilespmem:s3+$0x80] =	vst v9  }
0x1ac: {  	v53 =	vor.u32 $0x2, v1;
	s8 =	sor.u32 s9, s25;
	v10 =	vld.idx.msk [tilespmem:v10+s2+$0x0], $0xffff;
	[tilespmem:s10+$0x0] =	vst v18  }
0x1ad: {  	v54 =	vld.idx.msk [tilespmem:v50+s2+$0x0], $0xffff;
	[tilespmem:s8+$0x0] =	vst v51  }
0x1ae: {  	v55 =	vor.u32 $0x2, v15;
	[tilespmem:s1+$0x100] =	vst v8;
	v56 =	vld.idx.msk [tilespmem:v19+s2+$0x0], $0xffff  }
0x1af: {  	v57 =	vor.u32 $0x2, v17;
	v0 =	vld.idx.msk [tilespmem:v0+s2+$0x0], $0xffff;
	[tilespmem:s0+$0x180] =	vst v6  }
0x1b0: {  	v5 =	vld.idx.msk [tilespmem:v5+s2+$0x0], $0xffff;
	[tilespmem:s5+$0x80] =	vst v52  }
0x1b1: {  	v12 =	vld.idx.msk [tilespmem:v53+s2+$0x0], $0xffff;
	[tilespmem:s7+$0x80] =	vst v10  }
0x1b2: {  	v58 =	vor.u32 $0x3, v1;
	v7 =	vld.idx.msk [tilespmem:v7+s2+$0x0], $0xffff;
	[tilespmem:s10+$0x80] =	vst v54  }
0x1b3: {  	v59 =	vld.idx.msk [tilespmem:v55+s2+$0x0], $0xffff;
	[tilespmem:s8+$0x80] =	vst v56  }
0x1b4: {  	v60 =	vor.u32 $0x3, v15;
	[tilespmem:s6+$0x180] =	vst v0;
	v61 =	vld.idx.msk [tilespmem:v57+s2+$0x0], $0xffff  }
0x1b5: {  	v62 =	vor.u32 $0x3, v17;
	v2 =	vld.idx.msk [tilespmem:v2+s2+$0x0], $0xffff;
	[tilespmem:s3+$0x100] =	vst v5  }
0x1b6: {  	v4 =	vld.idx.msk [tilespmem:v4+s2+$0x0], $0xffff;
	[tilespmem:s5+$0x100] =	vst v12  }
0x1b7: {  	v1 =	vld.idx.msk [tilespmem:v58+s2+$0x0], $0xffff;
	[tilespmem:s7+$0x100] =	vst v7  }
0x1b8: {  	v3 =	vld.idx.msk [tilespmem:v3+s2+$0x0], $0xffff;
	[tilespmem:s10+$0x100] =	vst v59  }
0x1b9: {  	v63 =	vld.idx.msk [tilespmem:v60+s2+$0x0], $0xffff;
	[tilespmem:s8+$0x100] =	vst v61  }
0x1ba: {  	[tilespmem:s1+$0x180] =	vst v2;
	v0 =	vld.idx.msk [tilespmem:v62+s2+$0x0], $0xffff  }
0x1bb: {  	[tilespmem:s3+$0x180] =	vst v4  }
0x1bc: {  	[tilespmem:s5+$0x180] =	vst v1  }
0x1bd: {  	[tilespmem:s7+$0x180] =	vst v3  }
0x1be: {  	[tilespmem:s10+$0x180] =	vst v63  }
0x1bf: {  	[tilespmem:s8+$0x180] =	vst v0  }
0x1c0: {  	s30 =	simm.s32 $0x4180;
	s0 =	rddreg [dreg:$0xe]  }
0x1c1: {  	[hbm4b:s0+s21] =	stream.strided.scatter [tilespmem:s30], [sflag:$0x3], $0x5000, s22, s21, $0x38;
	[tilespmem:$0xE180] =	vst v63  }
0x1c2: {  	_ =	swait.ge [sflag:s28], $0x5000  }
0x1c3: {  	[sflag:s28] =	ssyncset.done $0x0  }
0x1c4: {  	[sflag:s28] =	ssyncadd.s32 $0xFFFFB000  }
0x1c5: {  	_ =	swait.ge [sflag:s26], $0x5000  }
0x1c6: {  	s29 =	sadd.s32 $0x1, s29;
	s31 =	rddreg [dreg:$0xf]  }
0x1c7: {  	p0 =	sne.s32 s29, s31  }
.Ltmp5:
0x1c8: {  	_ = 	snop;
	(pc) =	sbr.rel @p0 .LBB2_1-.Ltmp5, $3  }
0x1c9: {  	_ =	sdelay $0x1  }
0x1ca: {  	[sflag:s26] =	ssyncset.done $0x0  }
0x1cb: {  	[sflag:s26] =	ssyncadd.s32 $0xFFFFB000  }
0x1cc: {  	_ =	sfence.sel $0x180000  }
0x1cd: {  	[bflag:$0x0] =	sbarrier.arrive $0xFFFF  }
0x1ce: {  	_ =	strace $0x90000047  }
0x1cf: {  	s0 =	stileid.u32;
	[bflag:$0x2] =	sbarrier.arrive $0xFFFF  }
0x1d0: {  	p0 =	sne.s32 s0, $0x0;
	s0 =	rddreg [dreg:$0x3]  }
0x1d1: {  	s0 =	sadd.s32 @!p0 $0x100000, s0  }
0x1d2: {  	[sflag:s0] =	ssyncadd.tile.s32 @!p0 $0x1;
	_ =	shalt  }
.Lfunc_end2:
_tile_overlayer_lowered:
.L_overlay_start_2:
0x1d3: {  	(tag) =	ssettag $0x2  }
0x1d4: {  	s0 =	rddreg [dreg:$0x0];
	s2 =	stileid.u32  }
0x1d5: {  	s1 =	rddreg [dreg:$0x1];
	p0 =	sne.s32 s2, $0x0  }
0x1d6: {  	s3 =	rddreg [dreg:$0x2];
	[bflag:$0x3] =	sbarrier.arrive $0xFFFF;
	s2 =	simm.s32 @!p0 $0x1C05  }
0x1d7: {  	[timem:s3], [sflag:s2] =	dma.local @!p0 [hbm:s0], s1  }
0x1d8: {  	s0 =	simm.s32 @!p0 $0x5  }
0x1d9: {  	_ =	swait.ge @!p0 [sflag:s0], s1  }
0x1da: {  	s1 =	ssub.s32 @!p0 $0x0, s1;
	[sflag:s0] =	ssyncset.done @!p0 $0x0  }
0x1db: {  	[sflag:s0] =	ssyncadd.s32 @!p0 s1  }
0x1dc: {  	[bflag:$0x3] =	sbarrier.arrive $0xFFFF  }
0x1dd: {  	_ =	shalt  }

</sc_bundles>
